<compile_context>
chip_gen: v7x
topology: tpu7x:2x2x1
jax: 0.10.2.dev20260603
libtpu: 0.0.44.dev20260713+nightly
codegen_flags: <defaults>
</compile_context>

<pallas_src>
import functools

import jax
import jax.numpy as jnp
from jax import lax
from jax.experimental import pallas as pl
from jax.experimental.pallas import tpu as pltpu
from jax.experimental.pallas import tpu_sc as plsc

N = 10000
K = 16
D = 8
S = 2000
E = 320000

SP = 2048
TB = 512
NSC = 32
CH = E // NSC
NT = 2 * K + 1

_HI = jax.lax.Precision.HIGHEST

_SC_PARAMS = dict(
    compiler_params=pltpu.CompilerParams(use_tc_tiling_on_sc=False,
                                         needs_layout_passes=False),
)


_HF = SP // 2


def _sgather_body(z_hbm, gt_hbm, b_hbm, sidx_hbm, sg_hbm,
                  row_v, idx_v, out_v, out2_v, sem, sem2):
    wid = lax.axis_index("s") * 2 + lax.axis_index("c")
    cp_idx = pltpu.async_copy(sidx_hbm, idx_v, sem)

    @pl.when(wid < K)
    def _():
        pltpu.async_copy(z_hbm.at[wid], row_v, sem2)

    @pl.when(wid >= K)
    def _():
        pltpu.async_copy(gt_hbm.at[wid - K], row_v, sem2)

    cp_idx.wait()
    pltpu.make_async_copy(z_hbm.at[0], row_v, sem2).wait()

    def body(i, _):
        iv = idx_v[pl.ds(i * 16, 16)]
        out_v[pl.ds(i * 16, 16)] = plsc.load_gather(row_v, [iv])
        return 0

    lax.fori_loop(0, SP // 16, body, 0)
    pltpu.sync_copy(out_v, sg_hbm.at[wid])

    @pl.when(wid < 2)
    def _():
        pltpu.sync_copy(b_hbm, row_v)

        def body2(i, _):
            iv = idx_v[pl.ds(wid * _HF + i * 16, 16)]
            out2_v[pl.ds(i * 16, 16)] = plsc.load_gather(row_v, [iv])
            return 0

        lax.fori_loop(0, _HF // 16, body2, 0)
        pltpu.sync_copy(out2_v, sg_hbm.at[NT - 1, pl.ds(wid * _HF, _HF)])


@functools.cache
def _sgather_call():
    return functools.partial(
        pl.kernel,
        out_type=jax.ShapeDtypeStruct((NT, SP), jnp.float32),
        mesh=plsc.VectorSubcoreMesh(core_axis_name="c", subcore_axis_name="s"),
        scratch_types=[
            pltpu.VMEM((N,), jnp.float32),
            pltpu.VMEM((SP,), jnp.int32),
            pltpu.VMEM((SP,), jnp.float32),
            pltpu.VMEM((_HF,), jnp.float32),
            pltpu.SemaphoreType.DMA,
            pltpu.SemaphoreType.DMA,
        ],
        **_SC_PARAMS,
    )(_sgather_body)


def _pack_rows(p):
    pb = p.astype(jnp.bfloat16)
    lo = lax.convert_element_type(
        lax.bitcast_convert_type(pb[0:D // 2, :], jnp.uint16), jnp.uint32)
    hi = lax.convert_element_type(
        lax.bitcast_convert_type(pb[D // 2:D, :], jnp.uint16), jnp.uint32)
    return lax.bitcast_convert_type(lo | (hi << 16), jnp.int32)


def _dense_body(z_ref, gt_ref, a_ref, sg_ref, x_ref, bsm_ref, p_ref):
    z = z_ref[...]
    zmax = jnp.max(z, axis=0, keepdims=True)
    ez = jnp.exp(z - zmax)
    zs = ez / jnp.sum(ez, axis=0, keepdims=True)
    g = 1.0 / (1.0 + jnp.exp(-gt_ref[...]))
    ztgt = zs * g
    ones_row = jnp.ones((1, N), jnp.float32)
    colsum = lax.dot_general(ones_row, ztgt, (((1,), (1,)), ((), ())),
                             preferred_element_type=jnp.float32, precision=_HI)

    sg = sg_ref[...]
    zraw = sg[0:K, :]
    graw = sg[K:2 * K, :]
    braw = sg[2 * K:2 * K + 1, :]
    zm = jnp.max(zraw, axis=0, keepdims=True)
    es = jnp.exp(zraw - zm)
    zsamp = es / jnp.sum(es, axis=0, keepdims=True)
    gs = 1.0 / (1.0 + jnp.exp(-graw))

    lane = lax.broadcasted_iota(jnp.int32, (1, SP), 1)
    valid = lane < S
    ztgsampt = jnp.where(valid, zsamp * gs, 0.0)
    bsm_ref[...] = jnp.where(valid, braw, -1e30)

    m = lax.dot_general(zsamp, ztgsampt, (((1,), (1,)), ((), ())),
                        preferred_element_type=jnp.float32, precision=_HI)
    m = m / colsum
    azc = lax.dot_general(a_ref[...], m, (((1,), (0,)), ((), ())),
                          preferred_element_type=jnp.float32, precision=_HI)
    x_ref[...] = lax.dot_general(azc, zsamp, (((1,), (0,)), ((), ())),
                                 preferred_element_type=jnp.float32,
                                 precision=_HI)
    p = lax.dot_general(azc, zs, (((1,), (0,)), ((), ())),
                        preferred_element_type=jnp.float32, precision=_HI)
    p_ref[...] = _pack_rows(p)


_dense_call = pl.pallas_call(
    _dense_body,
    out_shape=[
        jax.ShapeDtypeStruct((D, SP), jnp.float32),
        jax.ShapeDtypeStruct((1, SP), jnp.float32),
        jax.ShapeDtypeStruct((D // 2, N), jnp.int32),
    ],
)


def _pair_body(x_ref, bsm_ref, xt_ref, bst_ref, z1_ref):
    s = pl.program_id(0)
    x = x_ref[...]
    bs = bsm_ref[...]
    xi = xt_ref[...]
    bst = bst_ref[...]

    ycol = xi * (xi + 2e-6)
    ccol = lax.dot_general(ycol, jnp.ones((D, 1), jnp.float32),
                           (((0,), (0,)), ((), ())),
                           preferred_element_type=jnp.float32, precision=_HI)
    bcol = lax.dot_general(bst, jnp.ones((1, 1), jnp.float32),
                           (((0,), (0,)), ((), ())),
                           preferred_element_type=jnp.float32, precision=_HI)
    yrow = x * (x - 2e-6)
    rrow = lax.dot_general(jnp.ones((1, D), jnp.float32), yrow,
                           (((1,), (0,)), ((), ())),
                           preferred_element_type=jnp.float32, precision=_HI)
    cross = lax.dot_general(xi, x, (((0,), (0,)), ((), ())),
                            preferred_element_type=jnp.float32)
    d2 = jnp.maximum(ccol + rrow - 2.0 * cross + (D * 1e-12), 1e-30)
    dist = d2 * lax.rsqrt(d2)
    mat = jnp.exp(bcol + bs - dist)
    part = 0.5 * jnp.sum(mat, keepdims=True)

    @pl.when(s == 0)
    def _():
        diag = jnp.exp(2.0 * bs - (D ** 0.5) * 1e-6)
        z1_ref[...] = -0.5 * jnp.sum(diag, keepdims=True)

    z1_ref[...] += part


_pair_call = pl.pallas_call(
    _pair_body,
    grid=(SP // TB,),
    in_specs=[
        pl.BlockSpec((D, SP), lambda s: (0, 0)),
        pl.BlockSpec((1, SP), lambda s: (0, 0)),
        pl.BlockSpec((D, TB), lambda s: (0, s)),
        pl.BlockSpec((1, TB), lambda s: (0, s)),
    ],
    out_specs=[
        pl.BlockSpec((1, 1), lambda s: (0, 0)),
    ],
    out_shape=[
        jax.ShapeDtypeStruct((1, 1), jnp.float32),
    ],
)


def _edge_body(p_hbm, beta_hbm, ii_hbm, jj_hbm, vc_hbm, out_hbm,
               p_v, b_v, ii_v, jj_v, vc_v, acc_v, sem):
    wid = lax.axis_index("s") * 2 + lax.axis_index("c")
    base = wid * CH
    copies = [
        pltpu.async_copy(p_hbm, p_v, sem),
        pltpu.async_copy(beta_hbm, b_v, sem),
        pltpu.async_copy(ii_hbm.at[pl.ds(base, CH)], ii_v, sem),
        pltpu.async_copy(jj_hbm.at[pl.ds(base, CH)], jj_v, sem),
        pltpu.async_copy(vc_hbm.at[pl.ds(base, CH)], vc_v, sem),
    ]
    for c in copies:
        c.wait()

    eps = jnp.full((32,), 1e-6, jnp.bfloat16)

    def body(t, acc):
        off = t * 16
        iv = ii_v[pl.ds(off, 16)]
        jv = jj_v[pl.ds(off, 16)]
        vc = vc_v[pl.ds(off, 16)]
        bi = plsc.load_gather(b_v, [iv])
        bj = plsc.load_gather(b_v, [jv])
        sqb = jnp.zeros((32,), jnp.bfloat16)
        for r in range(D // 2):
            row = jnp.full((16,), r, jnp.int32)
            wi = plsc.bitcast(plsc.load_gather(p_v, [row, iv]), jnp.bfloat16)
            wj = plsc.bitcast(plsc.load_gather(p_v, [row, jv]), jnp.bfloat16)
            t0 = wi - wj + eps
            sqb = sqb + t0 * t0
        slo, shi = plsc.unpack(sqb, format=plsc.PackFormat.INTERLEAVED)
        xc = jnp.maximum(slo + shi, 1e-30)
        yi = jnp.int32(0x5F3759DF) - (plsc.bitcast(xc, jnp.int32) >> 1)
        y = plsc.bitcast(yi, jnp.float32)
        y = y * (1.5 - 0.5 * xc * y * y)
        dist = xc * y
        return acc + vc * ((bi + bj) - dist)

    acc = lax.fori_loop(0, CH // 16, body, jnp.zeros((16,), jnp.float32),
                        unroll=2)
    acc_v[...] = acc
    pltpu.sync_copy(acc_v, out_hbm.at[wid])


@functools.cache
def _edge_call():
    return functools.partial(
        pl.kernel,
        out_type=jax.ShapeDtypeStruct((NSC, 16), jnp.float32),
        mesh=plsc.VectorSubcoreMesh(core_axis_name="c", subcore_axis_name="s"),
        scratch_types=[
            pltpu.VMEM((D // 2, N), jnp.int32),
            pltpu.VMEM((N,), jnp.float32),
            pltpu.VMEM((CH,), jnp.int32),
            pltpu.VMEM((CH,), jnp.int32),
            pltpu.VMEM((CH,), jnp.float32),
            pltpu.VMEM((16,), jnp.float32),
            pltpu.SemaphoreType.DMA,
        ],
        **_SC_PARAMS,
    )(_edge_body)


def kernel(beta, A, Z, Gate, sample_idx, sparse_sample_i, sparse_sample_j,
           valueC):
    zf = Z.astype(jnp.float32)
    gtf = Gate.T.astype(jnp.float32)
    bf = beta.astype(jnp.float32)
    sidxp = jnp.pad(sample_idx.astype(jnp.int32), (0, SP - S))

    sg = _sgather_call()(zf, gtf, bf, sidxp)
    x, bsm, p = _dense_call(zf, gtf, A.astype(jnp.float32), sg)
    partials = _edge_call()(p, bf, sparse_sample_i.astype(jnp.int32),
                            sparse_sample_j.astype(jnp.int32),
                            valueC.astype(jnp.float32))
    (z1,) = _pair_call(x, bsm, x, bsm)
    return jnp.sum(partials) - z1[0, 0]

# --- scband reference (transcript-rebuilt; emitter-appended) ---
"""Pipeline reference for scband-drraa-counts-44306882625942 (READ-ONLY COPY).

The authoritative reference and input builder live on the scoring server;
editing this copy changes nothing except your own understanding.
"""

import jax, jax.numpy as jnp
import numpy as np

N = 10000
K = 16
D = 8
S = 2000
E = 320000

def setup_inputs(seed: int = 0) -> dict:
    key = jax.random.key(seed)
    ks = jax.random.split(key, 8)
    beta = jax.random.normal(ks[0], (N,), dtype=jnp.float32)
    A = jax.random.normal(ks[1], (D, K), dtype=jnp.float32)
    Z = jax.random.normal(ks[2], (K, N), dtype=jnp.float32)
    Gate = jax.random.normal(ks[3], (N, K), dtype=jnp.float32)
    sample_idx = jax.random.randint(ks[4], (S,), 0, N, dtype=jnp.int64 if jax.config.jax_enable_x64 else jnp.int32)
    sparse_sample_i = jax.random.randint(ks[5], (E,), 0, N, dtype=jnp.int64 if jax.config.jax_enable_x64 else jnp.int32)
    sparse_sample_j = jax.random.randint(ks[6], (E,), 0, N, dtype=jnp.int64 if jax.config.jax_enable_x64 else jnp.int32)
    valueC = jax.random.uniform(ks[7], (E,), dtype=jnp.float32)
    return {"beta": beta, "A": A, "Z": Z, "Gate": Gate,
            "sample_idx": sample_idx, "sparse_sample_i": sparse_sample_i,
            "sparse_sample_j": sparse_sample_j, "valueC": valueC}

def reference(beta, A, Z, Gate, sample_idx, sparse_sample_i, sparse_sample_j, valueC):
    # log_likelihood of DRRAA_counts, with the stochastic sample_network outputs
    # (sample_idx, sparse_sample_i/j, valueC) provided as precomputed inputs.
    Zs = jax.nn.softmax(Z, axis=0)                      # [K, N]
    G = jax.nn.sigmoid(Gate)                            # [N, K]
    ZTG = Zs.T * G                                      # [N, K]
    C = ZTG / ZTG.sum(0)                                # [N, K]
    beta_s = beta[sample_idx][:, None] + beta[sample_idx][None, :]   # [S, S]
    Z_samp = Zs[:, sample_idx]                          # [K, S]
    C_samp = C[sample_idx, :]                           # [S, K]
    AZCz = (A @ (Z_samp @ C_samp @ Z_samp)).T           # [S, D]
    dist = jnp.sqrt((((AZCz[:, None, :] - AZCz[None, :, :]) + 1e-06) ** 2).sum(-1))  # [S, S]
    mat = jnp.exp(beta_s - dist)
    z_pdist1 = 0.5 * (mat - jnp.diag(jnp.diagonal(mat))).sum()
    AZC = A @ (Z_samp @ C_samp)                         # [D, K]
    diff = (AZC @ Zs[:, sparse_sample_i]).T - (AZC @ Zs[:, sparse_sample_j]).T + 1e-06  # [E, D]
    z_pdist2 = (valueC * (beta[sparse_sample_i] + beta[sparse_sample_j] - jnp.sqrt((diff ** 2).sum(-1)))).sum()
    log_likelihood_sparse = z_pdist2 - z_pdist1
    return log_likelihood_sparse

if False:  # reference __main__ guard neutralized (emitter)
    out = reference(**setup_inputs())
    print(out)

if __name__ == "__main__":
    import jax
    _d = setup_inputs()
    print(jax.jit(kernel)(*tuple(_d.values())))

</pallas_src>

<mosaic_0001>
#map = affine_map<(d0, d1) -> (0, 0)>
#map1 = affine_map<(d0, d1) -> (0)>
module attributes {stable_mosaic.version = 14 : i64} {
  func.func @_edge_body(%arg0: i32, %arg1: i32, %arg2: memref<4x10000xi32, #tpu.memory_space<hbm>>, %arg3: memref<10000xf32, #tpu.memory_space<hbm>>, %arg4: memref<320000xi32, #tpu.memory_space<hbm>>, %arg5: memref<320000xi32, #tpu.memory_space<hbm>>, %arg6: memref<320000xf32, #tpu.memory_space<hbm>>, %arg7: memref<32x16xf32, #tpu.memory_space<hbm>>, %arg8: memref<4x10000xi32, #tpu.memory_space<vmem>>, %arg9: memref<10000xf32, #tpu.memory_space<vmem>>, %arg10: memref<10000xi32, #tpu.memory_space<vmem>>, %arg11: memref<10000xi32, #tpu.memory_space<vmem>>, %arg12: memref<10000xf32, #tpu.memory_space<vmem>>, %arg13: memref<16xf32, #tpu.memory_space<vmem>>, %arg14: memref<!tpu.dma_semaphore, #tpu.memory_space<semaphore_mem>>) attributes {dimension_semantics = [#tpu.dimension_semantics<core_parallel>, #tpu.dimension_semantics<subcore_parallel>], iteration_bounds = array<i64: 2, 16>, scalar_prefetch = 0 : i64, scratch_operands = 7 : i64, tpu.core_type = #tpu.core_type<sc_vector_subcore>, window_params = [{transform_indices = #map}, {transform_indices = #map1}, {transform_indices = #map1}, {transform_indices = #map1}, {transform_indices = #map1}, {transform_indices = #map}]} {
    %mul3A = arith.constant 2 : i32
    %mul3A_0 = arith.muli %arg1, %mul3A : i32
    %add3A = arith.addi %mul3A_0, %arg0 : i32
    %mul3A_1 = arith.constant 10000 : i32
    %mul3A_2 = arith.muli %add3A, %mul3A_1 : i32
    tpu.enqueue_dma source(%arg2 : memref<4x10000xi32, #tpu.memory_space<hbm>>) target(%arg8 : memref<4x10000xi32, #tpu.memory_space<vmem>>) target_semaphore(%arg14 : memref<!tpu.dma_semaphore, #tpu.memory_space<semaphore_mem>>)
    tpu.enqueue_dma source(%arg3 : memref<10000xf32, #tpu.memory_space<hbm>>) target(%arg9 : memref<10000xf32, #tpu.memory_space<vmem>>) target_semaphore(%arg14 : memref<!tpu.dma_semaphore, #tpu.memory_space<semaphore_mem>>)
    %dma_start3A = tpu.memref_slice %arg4[%mul3A_2] : memref<320000xi32, #tpu.memory_space<hbm>> -> memref<10000xi32, #tpu.memory_space<hbm>>
    %dma_start3A_3 = tpu.memref_slice %arg4[%mul3A_2] : memref<320000xi32, #tpu.memory_space<hbm>> -> memref<10000xi32, #tpu.memory_space<hbm>>
    tpu.enqueue_dma source(%dma_start3A_3 : memref<10000xi32, #tpu.memory_space<hbm>>) target(%arg10 : memref<10000xi32, #tpu.memory_space<vmem>>) target_semaphore(%arg14 : memref<!tpu.dma_semaphore, #tpu.memory_space<semaphore_mem>>)
    %dma_start3A_4 = tpu.memref_slice %arg5[%mul3A_2] : memref<320000xi32, #tpu.memory_space<hbm>> -> memref<10000xi32, #tpu.memory_space<hbm>>
    %dma_start3A_5 = tpu.memref_slice %arg5[%mul3A_2] : memref<320000xi32, #tpu.memory_space<hbm>> -> memref<10000xi32, #tpu.memory_space<hbm>>
    tpu.enqueue_dma source(%dma_start3A_5 : memref<10000xi32, #tpu.memory_space<hbm>>) target(%arg11 : memref<10000xi32, #tpu.memory_space<vmem>>) target_semaphore(%arg14 : memref<!tpu.dma_semaphore, #tpu.memory_space<semaphore_mem>>)
    %dma_start3A_6 = tpu.memref_slice %arg6[%mul3A_2] : memref<320000xf32, #tpu.memory_space<hbm>> -> memref<10000xf32, #tpu.memory_space<hbm>>
    %dma_start3A_7 = tpu.memref_slice %arg6[%mul3A_2] : memref<320000xf32, #tpu.memory_space<hbm>> -> memref<10000xf32, #tpu.memory_space<hbm>>
    tpu.enqueue_dma source(%dma_start3A_7 : memref<10000xf32, #tpu.memory_space<hbm>>) target(%arg12 : memref<10000xf32, #tpu.memory_space<vmem>>) target_semaphore(%arg14 : memref<!tpu.dma_semaphore, #tpu.memory_space<semaphore_mem>>)
    tpu.wait_dma2 semaphore(%arg14 : memref<!tpu.dma_semaphore, #tpu.memory_space<semaphore_mem>>) src(%arg2 : memref<4x10000xi32, #tpu.memory_space<hbm>>) dst(%arg8 : memref<4x10000xi32, #tpu.memory_space<vmem>>)
    tpu.wait_dma2 semaphore(%arg14 : memref<!tpu.dma_semaphore, #tpu.memory_space<semaphore_mem>>) src(%arg3 : memref<10000xf32, #tpu.memory_space<hbm>>) dst(%arg9 : memref<10000xf32, #tpu.memory_space<vmem>>)
    %dma_wait3A = tpu.memref_slice %arg4[%mul3A_2] : memref<320000xi32, #tpu.memory_space<hbm>> -> memref<10000xi32, #tpu.memory_space<hbm>>
    %dma_wait3A_8 = tpu.memref_slice %arg4[%mul3A_2] : memref<320000xi32, #tpu.memory_space<hbm>> -> memref<10000xi32, #tpu.memory_space<hbm>>
    tpu.wait_dma2 semaphore(%arg14 : memref<!tpu.dma_semaphore, #tpu.memory_space<semaphore_mem>>) src(%dma_wait3A_8 : memref<10000xi32, #tpu.memory_space<hbm>>) dst(%arg10 : memref<10000xi32, #tpu.memory_space<vmem>>)
    %dma_wait3A_9 = tpu.memref_slice %arg5[%mul3A_2] : memref<320000xi32, #tpu.memory_space<hbm>> -> memref<10000xi32, #tpu.memory_space<hbm>>
    %dma_wait3A_10 = tpu.memref_slice %arg5[%mul3A_2] : memref<320000xi32, #tpu.memory_space<hbm>> -> memref<10000xi32, #tpu.memory_space<hbm>>
    tpu.wait_dma2 semaphore(%arg14 : memref<!tpu.dma_semaphore, #tpu.memory_space<semaphore_mem>>) src(%dma_wait3A_10 : memref<10000xi32, #tpu.memory_space<hbm>>) dst(%arg11 : memref<10000xi32, #tpu.memory_space<vmem>>)
    %dma_wait3A_11 = tpu.memref_slice %arg6[%mul3A_2] : memref<320000xf32, #tpu.memory_space<hbm>> -> memref<10000xf32, #tpu.memory_space<hbm>>
    %dma_wait3A_12 = tpu.memref_slice %arg6[%mul3A_2] : memref<320000xf32, #tpu.memory_space<hbm>> -> memref<10000xf32, #tpu.memory_space<hbm>>
    tpu.wait_dma2 semaphore(%arg14 : memref<!tpu.dma_semaphore, #tpu.memory_space<semaphore_mem>>) src(%dma_wait3A_12 : memref<10000xf32, #tpu.memory_space<hbm>>) dst(%arg12 : memref<10000xf32, #tpu.memory_space<vmem>>)
    %broadcast_in_dim3A = arith.constant 9.983770e-07 : bf16
    %broadcast_in_dim3A_13 = vector.broadcast %broadcast_in_dim3A : bf16 to vector<32xbf16>
    %broadcast_in_dim3A_14 = arith.constant 0.000000e+00 : f32
    %broadcast_in_dim3A_15 = vector.broadcast %broadcast_in_dim3A_14 : f32 to vector<16xf32>
    %scan3A = arith.constant 0 : i32
    %scan3A_16 = arith.constant 624 : i32
    %scan3A_17 = arith.addi %scan3A, %scan3A_16 : i32
    %scan3A_18 = arith.constant 2 : i32
    %scan3A_19 = scf.for %scan3A_97 = %scan3A to %scan3A_17 step %scan3A_18 iter_args(%scan3A_98 = %broadcast_in_dim3A_15) -> (vector<16xf32>)  : i32 {
      %mul3A_99 = arith.constant 16 : i32
      %mul3A_100 = arith.muli %scan3A_97, %mul3A_99 : i32
      %get3A_101 = arith.index_cast %mul3A_100 : i32 to index
      %get3A_102 = tpu.vector_load %arg10[%get3A_101] {strides = array<i32>} : memref<10000xi32, #tpu.memory_space<vmem>>, vector<16xi32>,
      %get3A_103 = arith.index_cast %mul3A_100 : i32 to index
      %get3A_104 = tpu.vector_load %arg11[%get3A_103] {strides = array<i32>} : memref<10000xi32, #tpu.memory_space<vmem>>, vector<16xi32>,
      %get3A_105 = arith.index_cast %mul3A_100 : i32 to index
      %get3A_106 = tpu.vector_load %arg12[%get3A_105] {strides = array<i32>} : memref<10000xf32, #tpu.memory_space<vmem>>, vector<16xf32>,
      %gather3A_107 = tpu.vector_load_idx %arg9[%get3A_102] : memref<10000xf32, #tpu.memory_space<vmem>>[vector<16xi32>], vector<16xf32>,
      %gather3A_108 = tpu.vector_load_idx %arg9[%get3A_104] : memref<10000xf32, #tpu.memory_space<vmem>>[vector<16xi32>], vector<16xf32>,
      %broadcast_in_dim3A_109 = arith.constant 0.000000e+00 : bf16
      %broadcast_in_dim3A_110 = vector.broadcast %broadcast_in_dim3A_109 : bf16 to vector<32xbf16>
      %broadcast_in_dim3A_111 = arith.constant 0 : i32
      %broadcast_in_dim3A_112 = vector.broadcast %broadcast_in_dim3A_111 : i32 to vector<16xi32>
      %gather3A_113 = tpu.vector_load_idx %arg8[%broadcast_in_dim3A_112, %get3A_102] : memref<4x10000xi32, #tpu.memory_space<vmem>>[vector<16xi32>, vector<16xi32>], vector<16xi32>,
      %bitcast3A_114 = vector.bitcast %gather3A_113 : vector<16xi32> to vector<32xbf16>
      %gather3A_115 = tpu.vector_load_idx %arg8[%broadcast_in_dim3A_112, %get3A_104] : memref<4x10000xi32, #tpu.memory_space<vmem>>[vector<16xi32>, vector<16xi32>], vector<16xi32>,
      %bitcast3A_116 = vector.bitcast %gather3A_115 : vector<16xi32> to vector<32xbf16>
      %sub3A_117 = arith.subf %bitcast3A_114, %bitcast3A_116 : vector<32xbf16>
      %add3A_118 = arith.addf %sub3A_117, %broadcast_in_dim3A_13 : vector<32xbf16>
      %mul3A_119 = arith.mulf %add3A_118, %add3A_118 : vector<32xbf16>
      %add3A_120 = arith.addf %broadcast_in_dim3A_110, %mul3A_119 : vector<32xbf16>
      %broadcast_in_dim3A_121 = arith.constant 1 : i32
      %broadcast_in_dim3A_122 = vector.broadcast %broadcast_in_dim3A_121 : i32 to vector<16xi32>
      %gather3A_123 = tpu.vector_load_idx %arg8[%broadcast_in_dim3A_122, %get3A_102] : memref<4x10000xi32, #tpu.memory_space<vmem>>[vector<16xi32>, vector<16xi32>], vector<16xi32>,
      %bitcast3A_124 = vector.bitcast %gather3A_123 : vector<16xi32> to vector<32xbf16>
      %gather3A_125 = tpu.vector_load_idx %arg8[%broadcast_in_dim3A_122, %get3A_104] : memref<4x10000xi32, #tpu.memory_space<vmem>>[vector<16xi32>, vector<16xi32>], vector<16xi32>,
      %bitcast3A_126 = vector.bitcast %gather3A_125 : vector<16xi32> to vector<32xbf16>
      %sub3A_127 = arith.subf %bitcast3A_124, %bitcast3A_126 : vector<32xbf16>
      %add3A_128 = arith.addf %sub3A_127, %broadcast_in_dim3A_13 : vector<32xbf16>
      %mul3A_129 = arith.mulf %add3A_128, %add3A_128 : vector<32xbf16>
      %add3A_130 = arith.addf %add3A_120, %mul3A_129 : vector<32xbf16>
      %broadcast_in_dim3A_131 = arith.constant 2 : i32
      %broadcast_in_dim3A_132 = vector.broadcast %broadcast_in_dim3A_131 : i32 to vector<16xi32>
      %gather3A_133 = tpu.vector_load_idx %arg8[%broadcast_in_dim3A_132, %get3A_102] : memref<4x10000xi32, #tpu.memory_space<vmem>>[vector<16xi32>, vector<16xi32>], vector<16xi32>,
      %bitcast3A_134 = vector.bitcast %gather3A_133 : vector<16xi32> to vector<32xbf16>
      %gather3A_135 = tpu.vector_load_idx %arg8[%broadcast_in_dim3A_132, %get3A_104] : memref<4x10000xi32, #tpu.memory_space<vmem>>[vector<16xi32>, vector<16xi32>], vector<16xi32>,
      %bitcast3A_136 = vector.bitcast %gather3A_135 : vector<16xi32> to vector<32xbf16>
      %sub3A_137 = arith.subf %bitcast3A_134, %bitcast3A_136 : vector<32xbf16>
      %add3A_138 = arith.addf %sub3A_137, %broadcast_in_dim3A_13 : vector<32xbf16>
      %mul3A_139 = arith.mulf %add3A_138, %add3A_138 : vector<32xbf16>
      %add3A_140 = arith.addf %add3A_130, %mul3A_139 : vector<32xbf16>
      %broadcast_in_dim3A_141 = arith.constant 3 : i32
      %broadcast_in_dim3A_142 = vector.broadcast %broadcast_in_dim3A_141 : i32 to vector<16xi32>
      %gather3A_143 = tpu.vector_load_idx %arg8[%broadcast_in_dim3A_142, %get3A_102] : memref<4x10000xi32, #tpu.memory_space<vmem>>[vector<16xi32>, vector<16xi32>], vector<16xi32>,
      %bitcast3A_144 = vector.bitcast %gather3A_143 : vector<16xi32> to vector<32xbf16>
      %gather3A_145 = tpu.vector_load_idx %arg8[%broadcast_in_dim3A_142, %get3A_104] : memref<4x10000xi32, #tpu.memory_space<vmem>>[vector<16xi32>, vector<16xi32>], vector<16xi32>,
      %bitcast3A_146 = vector.bitcast %gather3A_145 : vector<16xi32> to vector<32xbf16>
      %sub3A_147 = arith.subf %bitcast3A_144, %bitcast3A_146 : vector<32xbf16>
      %add3A_148 = arith.addf %sub3A_147, %broadcast_in_dim3A_13 : vector<32xbf16>
      %mul3A_149 = arith.mulf %add3A_148, %add3A_148 : vector<32xbf16>
      %add3A_150 = arith.addf %add3A_140, %mul3A_149 : vector<32xbf16>
      %unpack3A_151 = tpu.unpack_subelements %add3A_150, 0 {pack_format = #tpu.pack_format<interleaved>} : vector<32xbf16> -> vector<16xf32>
      %unpack3A_152 = tpu.unpack_subelements %add3A_150, 1 {pack_format = #tpu.pack_format<interleaved>} : vector<32xbf16> -> vector<16xf32>
      %add3A_153 = arith.addf %unpack3A_151, %unpack3A_152 : vector<16xf32>
      %max3A_154 = arith.constant 1.000000e-30 : f32
      %max3A_155 = vector.broadcast %max3A_154 : f32 to vector<16xf32>
      %max3A_156 = arith.maximumf %add3A_153, %max3A_155 : vector<16xf32>
      %bitcast3A_157 = vector.bitcast %max3A_156 : vector<16xf32> to vector<16xi32>
      %shift_right_arithmetic3A_158 = arith.constant 1 : i32
      %shift_right_arithmetic3A_159 = vector.broadcast %shift_right_arithmetic3A_158 : i32 to vector<16xi32>
      %shift_right_arithmetic3A_160 = arith.shrsi %bitcast3A_157, %shift_right_arithmetic3A_159 : vector<16xi32>
      %sub3A_161 = arith.constant 1597463007 : i32
      %sub3A_162 = vector.broadcast %sub3A_161 : i32 to vector<16xi32>
      %sub3A_163 = arith.subi %sub3A_162, %shift_right_arithmetic3A_160 : vector<16xi32>
      %bitcast3A_164 = vector.bitcast %sub3A_163 : vector<16xi32> to vector<16xf32>
      %mul3A_165 = arith.constant 5.000000e-01 : f32
      %mul3A_166 = vector.broadcast %mul3A_165 : f32 to vector<16xf32>
      %mul3A_167 = arith.mulf %mul3A_166, %max3A_156 : vector<16xf32>
      %mul3A_168 = arith.mulf %mul3A_167, %bitcast3A_164 : vector<16xf32>
      %mul3A_169 = arith.mulf %mul3A_168, %bitcast3A_164 : vector<16xf32>
      %sub3A_170 = arith.constant 1.500000e+00 : f32
      %sub3A_171 = vector.broadcast %sub3A_170 : f32 to vector<16xf32>
      %sub3A_172 = arith.subf %sub3A_171, %mul3A_169 : vector<16xf32>
      %mul3A_173 = arith.mulf %bitcast3A_164, %sub3A_172 : vector<16xf32>
      %mul3A_174 = arith.mulf %max3A_156, %mul3A_173 : vector<16xf32>
      %add3A_175 = arith.addf %gather3A_107, %gather3A_108 : vector<16xf32>
      %sub3A_176 = arith.subf %add3A_175, %mul3A_174 : vector<16xf32>
      %mul3A_177 = arith.mulf %get3A_106, %sub3A_176 : vector<16xf32>
      %add3A_178 = arith.addf %scan3A_98, %mul3A_177 : vector<16xf32>
      %scan3A_179 = arith.constant 1 : i32
      %scan3A_180 = arith.addi %scan3A_97, %scan3A_179 : i32
      %mul3A_181 = arith.constant 16 : i32
      %mul3A_182 = arith.muli %scan3A_180, %mul3A_181 : i32
      %get3A_183 = arith.index_cast %mul3A_182 : i32 to index
      %get3A_184 = tpu.vector_load %arg10[%get3A_183] {strides = array<i32>} : memref<10000xi32, #tpu.memory_space<vmem>>, vector<16xi32>,
      %get3A_185 = arith.index_cast %mul3A_182 : i32 to index
      %get3A_186 = tpu.vector_load %arg11[%get3A_185] {strides = array<i32>} : memref<10000xi32, #tpu.memory_space<vmem>>, vector<16xi32>,
      %get3A_187 = arith.index_cast %mul3A_182 : i32 to index
      %get3A_188 = tpu.vector_load %arg12[%get3A_187] {strides = array<i32>} : memref<10000xf32, #tpu.memory_space<vmem>>, vector<16xf32>,
      %gather3A_189 = tpu.vector_load_idx %arg9[%get3A_184] : memref<10000xf32, #tpu.memory_space<vmem>>[vector<16xi32>], vector<16xf32>,
      %gather3A_190 = tpu.vector_load_idx %arg9[%get3A_186] : memref<10000xf32, #tpu.memory_space<vmem>>[vector<16xi32>], vector<16xf32>,
      %broadcast_in_dim3A_191 = arith.constant 0.000000e+00 : bf16
      %broadcast_in_dim3A_192 = vector.broadcast %broadcast_in_dim3A_191 : bf16 to vector<32xbf16>
      %broadcast_in_dim3A_193 = arith.constant 0 : i32
      %broadcast_in_dim3A_194 = vector.broadcast %broadcast_in_dim3A_193 : i32 to vector<16xi32>
      %gather3A_195 = tpu.vector_load_idx %arg8[%broadcast_in_dim3A_194, %get3A_184] : memref<4x10000xi32, #tpu.memory_space<vmem>>[vector<16xi32>, vector<16xi32>], vector<16xi32>,
      %bitcast3A_196 = vector.bitcast %gather3A_195 : vector<16xi32> to vector<32xbf16>
      %gather3A_197 = tpu.vector_load_idx %arg8[%broadcast_in_dim3A_194, %get3A_186] : memref<4x10000xi32, #tpu.memory_space<vmem>>[vector<16xi32>, vector<16xi32>], vector<16xi32>,
      %bitcast3A_198 = vector.bitcast %gather3A_197 : vector<16xi32> to vector<32xbf16>
      %sub3A_199 = arith.subf %bitcast3A_196, %bitcast3A_198 : vector<32xbf16>
      %add3A_200 = arith.addf %sub3A_199, %broadcast_in_dim3A_13 : vector<32xbf16>
      %mul3A_201 = arith.mulf %add3A_200, %add3A_200 : vector<32xbf16>
      %add3A_202 = arith.addf %broadcast_in_dim3A_192, %mul3A_201 : vector<32xbf16>
      %broadcast_in_dim3A_203 = arith.constant 1 : i32
      %broadcast_in_dim3A_204 = vector.broadcast %broadcast_in_dim3A_203 : i32 to vector<16xi32>
      %gather3A_205 = tpu.vector_load_idx %arg8[%broadcast_in_dim3A_204, %get3A_184] : memref<4x10000xi32, #tpu.memory_space<vmem>>[vector<16xi32>, vector<16xi32>], vector<16xi32>,
      %bitcast3A_206 = vector.bitcast %gather3A_205 : vector<16xi32> to vector<32xbf16>
      %gather3A_207 = tpu.vector_load_idx %arg8[%broadcast_in_dim3A_204, %get3A_186] : memref<4x10000xi32, #tpu.memory_space<vmem>>[vector<16xi32>, vector<16xi32>], vector<16xi32>,
      %bitcast3A_208 = vector.bitcast %gather3A_207 : vector<16xi32> to vector<32xbf16>
      %sub3A_209 = arith.subf %bitcast3A_206, %bitcast3A_208 : vector<32xbf16>
      %add3A_210 = arith.addf %sub3A_209, %broadcast_in_dim3A_13 : vector<32xbf16>
      %mul3A_211 = arith.mulf %add3A_210, %add3A_210 : vector<32xbf16>
      %add3A_212 = arith.addf %add3A_202, %mul3A_211 : vector<32xbf16>
      %broadcast_in_dim3A_213 = arith.constant 2 : i32
      %broadcast_in_dim3A_214 = vector.broadcast %broadcast_in_dim3A_213 : i32 to vector<16xi32>
      %gather3A_215 = tpu.vector_load_idx %arg8[%broadcast_in_dim3A_214, %get3A_184] : memref<4x10000xi32, #tpu.memory_space<vmem>>[vector<16xi32>, vector<16xi32>], vector<16xi32>,
      %bitcast3A_216 = vector.bitcast %gather3A_215 : vector<16xi32> to vector<32xbf16>
      %gather3A_217 = tpu.vector_load_idx %arg8[%broadcast_in_dim3A_214, %get3A_186] : memref<4x10000xi32, #tpu.memory_space<vmem>>[vector<16xi32>, vector<16xi32>], vector<16xi32>,
      %bitcast3A_218 = vector.bitcast %gather3A_217 : vector<16xi32> to vector<32xbf16>
      %sub3A_219 = arith.subf %bitcast3A_216, %bitcast3A_218 : vector<32xbf16>
      %add3A_220 = arith.addf %sub3A_219, %broadcast_in_dim3A_13 : vector<32xbf16>
      %mul3A_221 = arith.mulf %add3A_220, %add3A_220 : vector<32xbf16>
      %add3A_222 = arith.addf %add3A_212, %mul3A_221 : vector<32xbf16>
      %broadcast_in_dim3A_223 = arith.constant 3 : i32
      %broadcast_in_dim3A_224 = vector.broadcast %broadcast_in_dim3A_223 : i32 to vector<16xi32>
      %gather3A_225 = tpu.vector_load_idx %arg8[%broadcast_in_dim3A_224, %get3A_184] : memref<4x10000xi32, #tpu.memory_space<vmem>>[vector<16xi32>, vector<16xi32>], vector<16xi32>,
      %bitcast3A_226 = vector.bitcast %gather3A_225 : vector<16xi32> to vector<32xbf16>
      %gather3A_227 = tpu.vector_load_idx %arg8[%broadcast_in_dim3A_224, %get3A_186] : memref<4x10000xi32, #tpu.memory_space<vmem>>[vector<16xi32>, vector<16xi32>], vector<16xi32>,
      %bitcast3A_228 = vector.bitcast %gather3A_227 : vector<16xi32> to vector<32xbf16>
      %sub3A_229 = arith.subf %bitcast3A_226, %bitcast3A_228 : vector<32xbf16>
      %add3A_230 = arith.addf %sub3A_229, %broadcast_in_dim3A_13 : vector<32xbf16>
      %mul3A_231 = arith.mulf %add3A_230, %add3A_230 : vector<32xbf16>
      %add3A_232 = arith.addf %add3A_222, %mul3A_231 : vector<32xbf16>
      %unpack3A_233 = tpu.unpack_subelements %add3A_232, 0 {pack_format = #tpu.pack_format<interleaved>} : vector<32xbf16> -> vector<16xf32>
      %unpack3A_234 = tpu.unpack_subelements %add3A_232, 1 {pack_format = #tpu.pack_format<interleaved>} : vector<32xbf16> -> vector<16xf32>
      %add3A_235 = arith.addf %unpack3A_233, %unpack3A_234 : vector<16xf32>
      %max3A_236 = arith.constant 1.000000e-30 : f32
      %max3A_237 = vector.broadcast %max3A_236 : f32 to vector<16xf32>
      %max3A_238 = arith.maximumf %add3A_235, %max3A_237 : vector<16xf32>
      %bitcast3A_239 = vector.bitcast %max3A_238 : vector<16xf32> to vector<16xi32>
      %shift_right_arithmetic3A_240 = arith.constant 1 : i32
      %shift_right_arithmetic3A_241 = vector.broadcast %shift_right_arithmetic3A_240 : i32 to vector<16xi32>
      %shift_right_arithmetic3A_242 = arith.shrsi %bitcast3A_239, %shift_right_arithmetic3A_241 : vector<16xi32>
      %sub3A_243 = arith.constant 1597463007 : i32
      %sub3A_244 = vector.broadcast %sub3A_243 : i32 to vector<16xi32>
      %sub3A_245 = arith.subi %sub3A_244, %shift_right_arithmetic3A_242 : vector<16xi32>
      %bitcast3A_246 = vector.bitcast %sub3A_245 : vector<16xi32> to vector<16xf32>
      %mul3A_247 = arith.constant 5.000000e-01 : f32
      %mul3A_248 = vector.broadcast %mul3A_247 : f32 to vector<16xf32>
      %mul3A_249 = arith.mulf %mul3A_248, %max3A_238 : vector<16xf32>
      %mul3A_250 = arith.mulf %mul3A_249, %bitcast3A_246 : vector<16xf32>
      %mul3A_251 = arith.mulf %mul3A_250, %bitcast3A_246 : vector<16xf32>
      %sub3A_252 = arith.constant 1.500000e+00 : f32
      %sub3A_253 = vector.broadcast %sub3A_252 : f32 to vector<16xf32>
      %sub3A_254 = arith.subf %sub3A_253, %mul3A_251 : vector<16xf32>
      %mul3A_255 = arith.mulf %bitcast3A_246, %sub3A_254 : vector<16xf32>
      %mul3A_256 = arith.mulf %max3A_238, %mul3A_255 : vector<16xf32>
      %add3A_257 = arith.addf %gather3A_189, %gather3A_190 : vector<16xf32>
      %sub3A_258 = arith.subf %add3A_257, %mul3A_256 : vector<16xf32>
      %mul3A_259 = arith.mulf %get3A_188, %sub3A_258 : vector<16xf32>
      %add3A_260 = arith.addf %add3A_178, %mul3A_259 : vector<16xf32>
      scf.yield %add3A_260 : vector<16xf32>
    }
    %scan3A_20 = arith.constant 624 : i32
    %scan3A_21 = arith.addi %scan3A, %scan3A_20 : i32
    %mul3A_22 = arith.constant 16 : i32
    %mul3A_23 = arith.muli %scan3A_21, %mul3A_22 : i32
    %get3A = arith.index_cast %mul3A_23 : i32 to index
    %get3A_24 = tpu.vector_load %arg10[%get3A] {strides = array<i32>} : memref<10000xi32, #tpu.memory_space<vmem>>, vector<16xi32>,
    %get3A_25 = arith.index_cast %mul3A_23 : i32 to index
    %get3A_26 = tpu.vector_load %arg11[%get3A_25] {strides = array<i32>} : memref<10000xi32, #tpu.memory_space<vmem>>, vector<16xi32>,
    %get3A_27 = arith.index_cast %mul3A_23 : i32 to index
    %get3A_28 = tpu.vector_load %arg12[%get3A_27] {strides = array<i32>} : memref<10000xf32, #tpu.memory_space<vmem>>, vector<16xf32>,
    %gather3A = tpu.vector_load_idx %arg9[%get3A_24] : memref<10000xf32, #tpu.memory_space<vmem>>[vector<16xi32>], vector<16xf32>,
    %gather3A_29 = tpu.vector_load_idx %arg9[%get3A_26] : memref<10000xf32, #tpu.memory_space<vmem>>[vector<16xi32>], vector<16xf32>,
    %broadcast_in_dim3A_30 = arith.constant 0.000000e+00 : bf16
    %broadcast_in_dim3A_31 = vector.broadcast %broadcast_in_dim3A_30 : bf16 to vector<32xbf16>
    %broadcast_in_dim3A_32 = arith.constant 0 : i32
    %broadcast_in_dim3A_33 = vector.broadcast %broadcast_in_dim3A_32 : i32 to vector<16xi32>
    %gather3A_34 = tpu.vector_load_idx %arg8[%broadcast_in_dim3A_33, %get3A_24] : memref<4x10000xi32, #tpu.memory_space<vmem>>[vector<16xi32>, vector<16xi32>], vector<16xi32>,
    %bitcast3A = vector.bitcast %gather3A_34 : vector<16xi32> to vector<32xbf16>
    %gather3A_35 = tpu.vector_load_idx %arg8[%broadcast_in_dim3A_33, %get3A_26] : memref<4x10000xi32, #tpu.memory_space<vmem>>[vector<16xi32>, vector<16xi32>], vector<16xi32>,
    %bitcast3A_36 = vector.bitcast %gather3A_35 : vector<16xi32> to vector<32xbf16>
    %sub3A = arith.subf %bitcast3A, %bitcast3A_36 : vector<32xbf16>
    %add3A_37 = arith.addf %sub3A, %broadcast_in_dim3A_13 : vector<32xbf16>
    %mul3A_38 = arith.mulf %add3A_37, %add3A_37 : vector<32xbf16>
    %add3A_39 = arith.addf %broadcast_in_dim3A_31, %mul3A_38 : vector<32xbf16>
    %broadcast_in_dim3A_40 = arith.constant 1 : i32
    %broadcast_in_dim3A_41 = vector.broadcast %broadcast_in_dim3A_40 : i32 to vector<16xi32>
    %gather3A_42 = tpu.vector_load_idx %arg8[%broadcast_in_dim3A_41, %get3A_24] : memref<4x10000xi32, #tpu.memory_space<vmem>>[vector<16xi32>, vector<16xi32>], vector<16xi32>,
    %bitcast3A_43 = vector.bitcast %gather3A_42 : vector<16xi32> to vector<32xbf16>
    %gather3A_44 = tpu.vector_load_idx %arg8[%broadcast_in_dim3A_41, %get3A_26] : memref<4x10000xi32, #tpu.memory_space<vmem>>[vector<16xi32>, vector<16xi32>], vector<16xi32>,
    %bitcast3A_45 = vector.bitcast %gather3A_44 : vector<16xi32> to vector<32xbf16>
    %sub3A_46 = arith.subf %bitcast3A_43, %bitcast3A_45 : vector<32xbf16>
    %add3A_47 = arith.addf %sub3A_46, %broadcast_in_dim3A_13 : vector<32xbf16>
    %mul3A_48 = arith.mulf %add3A_47, %add3A_47 : vector<32xbf16>
    %add3A_49 = arith.addf %add3A_39, %mul3A_48 : vector<32xbf16>
    %broadcast_in_dim3A_50 = arith.constant 2 : i32
    %broadcast_in_dim3A_51 = vector.broadcast %broadcast_in_dim3A_50 : i32 to vector<16xi32>
    %gather3A_52 = tpu.vector_load_idx %arg8[%broadcast_in_dim3A_51, %get3A_24] : memref<4x10000xi32, #tpu.memory_space<vmem>>[vector<16xi32>, vector<16xi32>], vector<16xi32>,
    %bitcast3A_53 = vector.bitcast %gather3A_52 : vector<16xi32> to vector<32xbf16>
    %gather3A_54 = tpu.vector_load_idx %arg8[%broadcast_in_dim3A_51, %get3A_26] : memref<4x10000xi32, #tpu.memory_space<vmem>>[vector<16xi32>, vector<16xi32>], vector<16xi32>,
    %bitcast3A_55 = vector.bitcast %gather3A_54 : vector<16xi32> to vector<32xbf16>
    %sub3A_56 = arith.subf %bitcast3A_53, %bitcast3A_55 : vector<32xbf16>
    %add3A_57 = arith.addf %sub3A_56, %broadcast_in_dim3A_13 : vector<32xbf16>
    %mul3A_58 = arith.mulf %add3A_57, %add3A_57 : vector<32xbf16>
    %add3A_59 = arith.addf %add3A_49, %mul3A_58 : vector<32xbf16>
    %broadcast_in_dim3A_60 = arith.constant 3 : i32
    %broadcast_in_dim3A_61 = vector.broadcast %broadcast_in_dim3A_60 : i32 to vector<16xi32>
    %gather3A_62 = tpu.vector_load_idx %arg8[%broadcast_in_dim3A_61, %get3A_24] : memref<4x10000xi32, #tpu.memory_space<vmem>>[vector<16xi32>, vector<16xi32>], vector<16xi32>,
    %bitcast3A_63 = vector.bitcast %gather3A_62 : vector<16xi32> to vector<32xbf16>
    %gather3A_64 = tpu.vector_load_idx %arg8[%broadcast_in_dim3A_61, %get3A_26] : memref<4x10000xi32, #tpu.memory_space<vmem>>[vector<16xi32>, vector<16xi32>], vector<16xi32>,
    %bitcast3A_65 = vector.bitcast %gather3A_64 : vector<16xi32> to vector<32xbf16>
    %sub3A_66 = arith.subf %bitcast3A_63, %bitcast3A_65 : vector<32xbf16>
    %add3A_67 = arith.addf %sub3A_66, %broadcast_in_dim3A_13 : vector<32xbf16>
    %mul3A_68 = arith.mulf %add3A_67, %add3A_67 : vector<32xbf16>
    %add3A_69 = arith.addf %add3A_59, %mul3A_68 : vector<32xbf16>
    %unpack3A = tpu.unpack_subelements %add3A_69, 0 {pack_format = #tpu.pack_format<interleaved>} : vector<32xbf16> -> vector<16xf32>
    %unpack3A_70 = tpu.unpack_subelements %add3A_69, 1 {pack_format = #tpu.pack_format<interleaved>} : vector<32xbf16> -> vector<16xf32>
    %add3A_71 = arith.addf %unpack3A, %unpack3A_70 : vector<16xf32>
    %max3A = arith.constant 1.000000e-30 : f32
    %max3A_72 = vector.broadcast %max3A : f32 to vector<16xf32>
    %max3A_73 = arith.maximumf %add3A_71, %max3A_72 : vector<16xf32>
    %bitcast3A_74 = vector.bitcast %max3A_73 : vector<16xf32> to vector<16xi32>
    %shift_right_arithmetic3A = arith.constant 1 : i32
    %shift_right_arithmetic3A_75 = vector.broadcast %shift_right_arithmetic3A : i32 to vector<16xi32>
    %shift_right_arithmetic3A_76 = arith.shrsi %bitcast3A_74, %shift_right_arithmetic3A_75 : vector<16xi32>
    %sub3A_77 = arith.constant 1597463007 : i32
    %sub3A_78 = vector.broadcast %sub3A_77 : i32 to vector<16xi32>
    %sub3A_79 = arith.subi %sub3A_78, %shift_right_arithmetic3A_76 : vector<16xi32>
    %bitcast3A_80 = vector.bitcast %sub3A_79 : vector<16xi32> to vector<16xf32>
    %mul3A_81 = arith.constant 5.000000e-01 : f32
    %mul3A_82 = vector.broadcast %mul3A_81 : f32 to vector<16xf32>
    %mul3A_83 = arith.mulf %mul3A_82, %max3A_73 : vector<16xf32>
    %mul3A_84 = arith.mulf %mul3A_83, %bitcast3A_80 : vector<16xf32>
    %mul3A_85 = arith.mulf %mul3A_84, %bitcast3A_80 : vector<16xf32>
    %sub3A_86 = arith.constant 1.500000e+00 : f32
    %sub3A_87 = vector.broadcast %sub3A_86 : f32 to vector<16xf32>
    %sub3A_88 = arith.subf %sub3A_87, %mul3A_85 : vector<16xf32>
    %mul3A_89 = arith.mulf %bitcast3A_80, %sub3A_88 : vector<16xf32>
    %mul3A_90 = arith.mulf %max3A_73, %mul3A_89 : vector<16xf32>
    %add3A_91 = arith.addf %gather3A, %gather3A_29 : vector<16xf32>
    %sub3A_92 = arith.subf %add3A_91, %mul3A_90 : vector<16xf32>
    %mul3A_93 = arith.mulf %get3A_28, %sub3A_92 : vector<16xf32>
    %add3A_94 = arith.addf %scan3A_19, %mul3A_93 : vector<16xf32>
    %scan3A_95 = arith.constant 625 : i32
    %swap3A = arith.constant 0 : index
    %swap3A_96 = tpu.vector_load %arg13[%swap3A] {strides = array<i32>} : memref<16xf32, #tpu.memory_space<vmem>>, vector<16xf32>,
    tpu.vector_store %arg13[%swap3A], %add3A_94 {strides = array<i32>} : memref<16xf32, #tpu.memory_space<vmem>>, vector<16xf32>,
    "tpu.region"() ({
      %run_scoped3A = tpu.sem_alloc : memref<!tpu.dma_semaphore, #tpu.memory_space<semaphore_mem>>
      %dma_start3A_97 = arith.constant 0 : i32
      %dma_start3A_98 = tpu.memref_slice %arg7[%add3A, %dma_start3A_97] : memref<32x16xf32, #tpu.memory_space<hbm>> -> memref<1x16xf32, #tpu.memory_space<hbm>>
      %dma_start3A_99 = tpu.memref_squeeze %dma_start3A_98 : memref<1x16xf32, #tpu.memory_space<hbm>> -> memref<16xf32, #tpu.memory_space<hbm>>
      %dma_start3A_100 = arith.constant 0 : i32
      %dma_start3A_101 = tpu.memref_slice %arg7[%add3A, %dma_start3A_100] : memref<32x16xf32, #tpu.memory_space<hbm>> -> memref<1x16xf32, #tpu.memory_space<hbm>>
      %dma_start3A_102 = tpu.memref_squeeze %dma_start3A_101 : memref<1x16xf32, #tpu.memory_space<hbm>> -> memref<16xf32, #tpu.memory_space<hbm>>
      tpu.enqueue_dma source(%arg13 : memref<16xf32, #tpu.memory_space<vmem>>) target(%dma_start3A_102 : memref<16xf32, #tpu.memory_space<hbm>>) target_semaphore(%run_scoped3A : memref<!tpu.dma_semaphore, #tpu.memory_space<semaphore_mem>>)
      %dma_wait3A_103 = arith.constant 0 : i32
      %dma_wait3A_104 = tpu.memref_slice %arg7[%add3A, %dma_wait3A_103] : memref<32x16xf32, #tpu.memory_space<hbm>> -> memref<1x16xf32, #tpu.memory_space<hbm>>
      %dma_wait3A_105 = tpu.memref_squeeze %dma_wait3A_104 : memref<1x16xf32, #tpu.memory_space<hbm>> -> memref<16xf32, #tpu.memory_space<hbm>>
      %dma_wait3A_106 = arith.constant 0 : i32
      %dma_wait3A_107 = tpu.memref_slice %arg7[%add3A, %dma_wait3A_106] : memref<32x16xf32, #tpu.memory_space<hbm>> -> memref<1x16xf32, #tpu.memory_space<hbm>>
      %dma_wait3A_108 = tpu.memref_squeeze %dma_wait3A_107 : memref<1x16xf32, #tpu.memory_space<hbm>> -> memref<16xf32, #tpu.memory_space<hbm>>
      tpu.wait_dma2 semaphore(%run_scoped3A : memref<!tpu.dma_semaphore, #tpu.memory_space<semaphore_mem>>) src(%arg13 : memref<16xf32, #tpu.memory_space<vmem>>) dst(%dma_wait3A_108 : memref<16xf32, #tpu.memory_space<hbm>>)
      tpu.yield
    }) : () -> ()
    return
  }
}

#map = affine_map<(d0, d1) -> (0, 0)>
#map1 = affine_map<(d0, d1) -> (0)>
module attributes {stable_mosaic.version = 14 : i64} {
  func.func @_sgather_body(%arg0: i32, %arg1: i32, %arg2: memref<16x10000xf32, #tpu.memory_space<hbm>>, %arg3: memref<16x10000xf32, #tpu.memory_space<hbm>>, %arg4: memref<10000xf32, #tpu.memory_space<hbm>>, %arg5: memref<2048xi32, #tpu.memory_space<hbm>>, %arg6: memref<33x2048xf32, #tpu.memory_space<hbm>>, %arg7: memref<10000xf32, #tpu.memory_space<vmem>>, %arg8: memref<2048xi32, #tpu.memory_space<vmem>>, %arg9: memref<2048xf32, #tpu.memory_space<vmem>>, %arg10: memref<1024xf32, #tpu.memory_space<vmem>>, %arg11: memref<!tpu.dma_semaphore, #tpu.memory_space<semaphore_mem>>, %arg12: memref<!tpu.dma_semaphore, #tpu.memory_space<semaphore_mem>>) attributes {dimension_semantics = [#tpu.dimension_semantics<core_parallel>, #tpu.dimension_semantics<subcore_parallel>], iteration_bounds = array<i64: 2, 16>, scalar_prefetch = 0 : i64, scratch_operands = 6 : i64, tpu.core_type = #tpu.core_type<sc_vector_subcore>, window_params = [{transform_indices = #map}, {transform_indices = #map}, {transform_indices = #map1}, {transform_indices = #map1}, {transform_indices = #map}]} {
    %mul3A = arith.constant 2 : i32
    %mul3A_0 = arith.muli %arg1, %mul3A : i32
    %add3A = arith.addi %mul3A_0, %arg0 : i32
    tpu.enqueue_dma source(%arg5 : memref<2048xi32, #tpu.memory_space<hbm>>) target(%arg8 : memref<2048xi32, #tpu.memory_space<vmem>>) target_semaphore(%arg11 : memref<!tpu.dma_semaphore, #tpu.memory_space<semaphore_mem>>)
    %lt3A = arith.constant 16 : i32
    %lt3A_1 = arith.cmpi slt, %add3A, %lt3A : i32
    %convert_element_type3A = arith.extui %lt3A_1 : i1 to i32
    %cond3A = arith.constant 0 : i32
    %cond3A_2 = arith.cmpi ne, %convert_element_type3A, %cond3A : i32
    scf.if %cond3A_2 {
      %dma_start3A = arith.constant 0 : i32
      %dma_start3A_24 = tpu.memref_slice %arg2[%add3A, %dma_start3A] : memref<16x10000xf32, #tpu.memory_space<hbm>> -> memref<1x10000xf32, #tpu.memory_space<hbm>>
      %dma_start3A_25 = tpu.memref_squeeze %dma_start3A_24 : memref<1x10000xf32, #tpu.memory_space<hbm>> -> memref<10000xf32, #tpu.memory_space<hbm>>
      %dma_start3A_26 = arith.constant 0 : i32
      %dma_start3A_27 = tpu.memref_slice %arg2[%add3A, %dma_start3A_26] : memref<16x10000xf32, #tpu.memory_space<hbm>> -> memref<1x10000xf32, #tpu.memory_space<hbm>>
      %dma_start3A_28 = tpu.memref_squeeze %dma_start3A_27 : memref<1x10000xf32, #tpu.memory_space<hbm>> -> memref<10000xf32, #tpu.memory_space<hbm>>
      tpu.enqueue_dma source(%dma_start3A_28 : memref<10000xf32, #tpu.memory_space<hbm>>) target(%arg7 : memref<10000xf32, #tpu.memory_space<vmem>>) target_semaphore(%arg12 : memref<!tpu.dma_semaphore, #tpu.memory_space<semaphore_mem>>)
    } else {
    }
    %ge3A = arith.constant 16 : i32
    %ge3A_3 = arith.cmpi sge, %add3A, %ge3A : i32
    %convert_element_type3A_4 = arith.extui %ge3A_3 : i1 to i32
    %cond3A_5 = arith.constant 0 : i32
    %cond3A_6 = arith.cmpi ne, %convert_element_type3A_4, %cond3A_5 : i32
    scf.if %cond3A_6 {
      %sub3A = arith.constant 16 : i32
      %sub3A_24 = arith.subi %add3A, %sub3A : i32
      %dma_start3A = arith.constant 0 : i32
      %dma_start3A_25 = tpu.memref_slice %arg3[%sub3A_24, %dma_start3A] : memref<16x10000xf32, #tpu.memory_space<hbm>> -> memref<1x10000xf32, #tpu.memory_space<hbm>>
      %dma_start3A_26 = tpu.memref_squeeze %dma_start3A_25 : memref<1x10000xf32, #tpu.memory_space<hbm>> -> memref<10000xf32, #tpu.memory_space<hbm>>
      %dma_start3A_27 = arith.constant 0 : i32
      %dma_start3A_28 = tpu.memref_slice %arg3[%sub3A_24, %dma_start3A_27] : memref<16x10000xf32, #tpu.memory_space<hbm>> -> memref<1x10000xf32, #tpu.memory_space<hbm>>
      %dma_start3A_29 = tpu.memref_squeeze %dma_start3A_28 : memref<1x10000xf32, #tpu.memory_space<hbm>> -> memref<10000xf32, #tpu.memory_space<hbm>>
      tpu.enqueue_dma source(%dma_start3A_29 : memref<10000xf32, #tpu.memory_space<hbm>>) target(%arg7 : memref<10000xf32, #tpu.memory_space<vmem>>) target_semaphore(%arg12 : memref<!tpu.dma_semaphore, #tpu.memory_space<semaphore_mem>>)
    } else {
    }
    tpu.wait_dma2 semaphore(%arg11 : memref<!tpu.dma_semaphore, #tpu.memory_space<semaphore_mem>>) src(%arg5 : memref<2048xi32, #tpu.memory_space<hbm>>) dst(%arg8 : memref<2048xi32, #tpu.memory_space<vmem>>)
    %dma_wait3A = arith.constant 0 : i32
    %dma_wait3A_7 = arith.constant 0 : i32
    %dma_wait3A_8 = tpu.memref_slice %arg2[%dma_wait3A, %dma_wait3A_7] : memref<16x10000xf32, #tpu.memory_space<hbm>> -> memref<1x10000xf32, #tpu.memory_space<hbm>>
    %dma_wait3A_9 = tpu.memref_squeeze %dma_wait3A_8 : memref<1x10000xf32, #tpu.memory_space<hbm>> -> memref<10000xf32, #tpu.memory_space<hbm>>
    %dma_wait3A_10 = arith.constant 0 : i32
    %dma_wait3A_11 = tpu.memref_slice %arg2[%dma_wait3A, %dma_wait3A_10] : memref<16x10000xf32, #tpu.memory_space<hbm>> -> memref<1x10000xf32, #tpu.memory_space<hbm>>
    %dma_wait3A_12 = tpu.memref_squeeze %dma_wait3A_11 : memref<1x10000xf32, #tpu.memory_space<hbm>> -> memref<10000xf32, #tpu.memory_space<hbm>>
    tpu.wait_dma2 semaphore(%arg12 : memref<!tpu.dma_semaphore, #tpu.memory_space<semaphore_mem>>) src(%dma_wait3A_12 : memref<10000xf32, #tpu.memory_space<hbm>>) dst(%arg7 : memref<10000xf32, #tpu.memory_space<vmem>>)
    %scan3A = arith.constant 0 : i32
    %scan3A_13 = arith.constant 0 : i32
    %scan3A_14 = arith.constant 128 : i32
    %scan3A_15 = arith.addi %scan3A_13, %scan3A_14 : i32
    %scan3A_16 = arith.constant 1 : i32
    %scan3A_17 = scf.for %scan3A_24 = %scan3A_13 to %scan3A_15 step %scan3A_16 iter_args(%scan3A_25 = %scan3A) -> (i32)  : i32 {
      %mul3A_26 = arith.constant 16 : i32
      %mul3A_27 = arith.muli %scan3A_24, %mul3A_26 : i32
      %get3A = arith.index_cast %mul3A_27 : i32 to index
      %get3A_28 = tpu.vector_load %arg8[%get3A] {strides = array<i32>} : memref<2048xi32, #tpu.memory_space<vmem>>, vector<16xi32>,
      %gather3A = tpu.vector_load_idx %arg7[%get3A_28] : memref<10000xf32, #tpu.memory_space<vmem>>[vector<16xi32>], vector<16xf32>,
      %mul3A_29 = arith.constant 16 : i32
      %mul3A_30 = arith.muli %scan3A_24, %mul3A_29 : i32
      %swap3A = arith.index_cast %mul3A_30 : i32 to index
      %swap3A_31 = tpu.vector_load %arg9[%swap3A] {strides = array<i32>} : memref<2048xf32, #tpu.memory_space<vmem>>, vector<16xf32>,
      tpu.vector_store %arg9[%swap3A], %gather3A {strides = array<i32>} : memref<2048xf32, #tpu.memory_space<vmem>>, vector<16xf32>,
      %scan3A_32 = arith.constant 0 : i32
      scf.yield %scan3A_32 : i32
    }
    %scan3A_18 = arith.constant 128 : i32
    "tpu.region"() ({
      %run_scoped3A = tpu.sem_alloc : memref<!tpu.dma_semaphore, #tpu.memory_space<semaphore_mem>>
      %dma_start3A = arith.constant 0 : i32
      %dma_start3A_24 = tpu.memref_slice %arg6[%add3A, %dma_start3A] : memref<33x2048xf32, #tpu.memory_space<hbm>> -> memref<1x2048xf32, #tpu.memory_space<hbm>>
      %dma_start3A_25 = tpu.memref_squeeze %dma_start3A_24 : memref<1x2048xf32, #tpu.memory_space<hbm>> -> memref<2048xf32, #tpu.memory_space<hbm>>
      %dma_start3A_26 = arith.constant 0 : i32
      %dma_start3A_27 = tpu.memref_slice %arg6[%add3A, %dma_start3A_26] : memref<33x2048xf32, #tpu.memory_space<hbm>> -> memref<1x2048xf32, #tpu.memory_space<hbm>>
      %dma_start3A_28 = tpu.memref_squeeze %dma_start3A_27 : memref<1x2048xf32, #tpu.memory_space<hbm>> -> memref<2048xf32, #tpu.memory_space<hbm>>
      tpu.enqueue_dma source(%arg9 : memref<2048xf32, #tpu.memory_space<vmem>>) target(%dma_start3A_28 : memref<2048xf32, #tpu.memory_space<hbm>>) target_semaphore(%run_scoped3A : memref<!tpu.dma_semaphore, #tpu.memory_space<semaphore_mem>>)
      %dma_wait3A_29 = arith.constant 0 : i32
      %dma_wait3A_30 = tpu.memref_slice %arg6[%add3A, %dma_wait3A_29] : memref<33x2048xf32, #tpu.memory_space<hbm>> -> memref<1x2048xf32, #tpu.memory_space<hbm>>
      %dma_wait3A_31 = tpu.memref_squeeze %dma_wait3A_30 : memref<1x2048xf32, #tpu.memory_space<hbm>> -> memref<2048xf32, #tpu.memory_space<hbm>>
      %dma_wait3A_32 = arith.constant 0 : i32
      %dma_wait3A_33 = tpu.memref_slice %arg6[%add3A, %dma_wait3A_32] : memref<33x2048xf32, #tpu.memory_space<hbm>> -> memref<1x2048xf32, #tpu.memory_space<hbm>>
      %dma_wait3A_34 = tpu.memref_squeeze %dma_wait3A_33 : memref<1x2048xf32, #tpu.memory_space<hbm>> -> memref<2048xf32, #tpu.memory_space<hbm>>
      tpu.wait_dma2 semaphore(%run_scoped3A : memref<!tpu.dma_semaphore, #tpu.memory_space<semaphore_mem>>) src(%arg9 : memref<2048xf32, #tpu.memory_space<vmem>>) dst(%dma_wait3A_34 : memref<2048xf32, #tpu.memory_space<hbm>>)
      tpu.yield
    }) : () -> ()
    %lt3A_19 = arith.constant 2 : i32
    %lt3A_20 = arith.cmpi slt, %add3A, %lt3A_19 : i32
    %convert_element_type3A_21 = arith.extui %lt3A_20 : i1 to i32
    %cond3A_22 = arith.constant 0 : i32
    %cond3A_23 = arith.cmpi ne, %convert_element_type3A_21, %cond3A_22 : i32
    scf.if %cond3A_23 {
      "tpu.region"() ({
        %run_scoped3A_33 = tpu.sem_alloc : memref<!tpu.dma_semaphore, #tpu.memory_space<semaphore_mem>>
        tpu.enqueue_dma source(%arg4 : memref<10000xf32, #tpu.memory_space<hbm>>) target(%arg7 : memref<10000xf32, #tpu.memory_space<vmem>>) target_semaphore(%run_scoped3A_33 : memref<!tpu.dma_semaphore, #tpu.memory_space<semaphore_mem>>)
        tpu.wait_dma2 semaphore(%run_scoped3A_33 : memref<!tpu.dma_semaphore, #tpu.memory_space<semaphore_mem>>) src(%arg4 : memref<10000xf32, #tpu.memory_space<hbm>>) dst(%arg7 : memref<10000xf32, #tpu.memory_space<vmem>>)
        tpu.yield
      }) : () -> ()
      %scan3A_24 = arith.constant 0 : i32
      %scan3A_25 = arith.constant 0 : i32
      %scan3A_26 = arith.constant 64 : i32
      %scan3A_27 = arith.addi %scan3A_25, %scan3A_26 : i32
      %scan3A_28 = arith.constant 1 : i32
      %scan3A_29 = scf.for %scan3A_33 = %scan3A_25 to %scan3A_27 step %scan3A_28 iter_args(%scan3A_34 = %scan3A_24) -> (i32)  : i32 {
        %mul3A_35 = arith.constant 1024 : i32
        %mul3A_36 = arith.muli %add3A, %mul3A_35 : i32
        %mul3A_37 = arith.constant 16 : i32
        %mul3A_38 = arith.muli %scan3A_33, %mul3A_37 : i32
        %add3A_39 = arith.addi %mul3A_36, %mul3A_38 : i32
        %get3A = arith.index_cast %add3A_39 : i32 to index
        %get3A_40 = tpu.vector_load %arg8[%get3A] {strides = array<i32>} : memref<2048xi32, #tpu.memory_space<vmem>>, vector<16xi32>,
        %gather3A = tpu.vector_load_idx %arg7[%get3A_40] : memref<10000xf32, #tpu.memory_space<vmem>>[vector<16xi32>], vector<16xf32>,
        %mul3A_41 = arith.constant 16 : i32
        %mul3A_42 = arith.muli %scan3A_33, %mul3A_41 : i32
        %swap3A = arith.index_cast %mul3A_42 : i32 to index
        %swap3A_43 = tpu.vector_load %arg10[%swap3A] {strides = array<i32>} : memref<1024xf32, #tpu.memory_space<vmem>>, vector<16xf32>,
        tpu.vector_store %arg10[%swap3A], %gather3A {strides = array<i32>} : memref<1024xf32, #tpu.memory_space<vmem>>, vector<16xf32>,
        %scan3A_44 = arith.constant 0 : i32
        scf.yield %scan3A_44 : i32
      }
      %scan3A_30 = arith.constant 64 : i32
      %mul3A_31 = arith.constant 1024 : i32
      %mul3A_32 = arith.muli %add3A, %mul3A_31 : i32
      %run_scoped3A = arith.constant 32 : i32
      "tpu.region"() ({
        %run_scoped3A_33 = tpu.sem_alloc : memref<!tpu.dma_semaphore, #tpu.memory_space<semaphore_mem>>
        %dma_start3A = tpu.memref_slice %arg6[%run_scoped3A, %mul3A_32] : memref<33x2048xf32, #tpu.memory_space<hbm>> -> memref<1x1024xf32, #tpu.memory_space<hbm>>
        %dma_start3A_34 = tpu.memref_squeeze %dma_start3A : memref<1x1024xf32, #tpu.memory_space<hbm>> -> memref<1024xf32, #tpu.memory_space<hbm>>
        %dma_start3A_35 = tpu.memref_slice %arg6[%run_scoped3A, %mul3A_32] : memref<33x2048xf32, #tpu.memory_space<hbm>> -> memref<1x1024xf32, #tpu.memory_space<hbm>>
        %dma_start3A_36 = tpu.memref_squeeze %dma_start3A_35 : memref<1x1024xf32, #tpu.memory_space<hbm>> -> memref<1024xf32, #tpu.memory_space<hbm>>
        tpu.enqueue_dma source(%arg10 : memref<1024xf32, #tpu.memory_space<vmem>>) target(%dma_start3A_36 : memref<1024xf32, #tpu.memory_space<hbm>>) target_semaphore(%run_scoped3A_33 : memref<!tpu.dma_semaphore, #tpu.memory_space<semaphore_mem>>)
        %dma_wait3A_37 = tpu.memref_slice %arg6[%run_scoped3A, %mul3A_32] : memref<33x2048xf32, #tpu.memory_space<hbm>> -> memref<1x1024xf32, #tpu.memory_space<hbm>>
        %dma_wait3A_38 = tpu.memref_squeeze %dma_wait3A_37 : memref<1x1024xf32, #tpu.memory_space<hbm>> -> memref<1024xf32, #tpu.memory_space<hbm>>
        %dma_wait3A_39 = tpu.memref_slice %arg6[%run_scoped3A, %mul3A_32] : memref<33x2048xf32, #tpu.memory_space<hbm>> -> memref<1x1024xf32, #tpu.memory_space<hbm>>
        %dma_wait3A_40 = tpu.memref_squeeze %dma_wait3A_39 : memref<1x1024xf32, #tpu.memory_space<hbm>> -> memref<1024xf32, #tpu.memory_space<hbm>>
        tpu.wait_dma2 semaphore(%run_scoped3A_33 : memref<!tpu.dma_semaphore, #tpu.memory_space<semaphore_mem>>) src(%arg10 : memref<1024xf32, #tpu.memory_space<vmem>>) dst(%dma_wait3A_40 : memref<1024xf32, #tpu.memory_space<hbm>>)
        tpu.yield
      }) : () -> ()
    } else {
    }
    return
  }
}

module attributes {stable_mosaic.version = 14 : i64} {
  func.func @_dense_body(%arg0: memref<16x10000xf32, #tpu.memory_space<vmem>>, %arg1: memref<16x10000xf32, #tpu.memory_space<vmem>>, %arg2: memref<8x16xf32, #tpu.memory_space<vmem>>, %arg3: memref<33x2048xf32, #tpu.memory_space<vmem>>, %arg4: memref<8x2048xf32, #tpu.memory_space<vmem>>, %arg5: memref<1x2048xf32, #tpu.memory_space<vmem>>, %arg6: memref<4x10000xi32, #tpu.memory_space<vmem>>) attributes {dimension_semantics = [], scalar_prefetch = 0 : i64, scratch_operands = 0 : i64, tpu.core_type = #tpu.core_type<tc>} {
    %get3A = arith.constant 0 : index
    %get3A_0 = arith.constant 0 : index
    %get3A_1 = vector.load %arg0[%get3A, %get3A_0] : memref<16x10000xf32, #tpu.memory_space<vmem>>, vector<16x10000xf32>
    %reduce_max3A = arith.constant dense<0xFF800000> : vector<10000xf32>
    %reduce_max3A_2 = vector.multi_reduction <maximumf>, %get3A_1, %reduce_max3A [0] : vector<16x10000xf32> to vector<10000xf32>
    %broadcast_in_dim3A = vector.shape_cast %reduce_max3A_2 : vector<10000xf32> to vector<1x10000xf32>
    %sub3A = vector.broadcast %broadcast_in_dim3A : vector<1x10000xf32> to vector<16x10000xf32>
    %sub3A_3 = arith.subf %get3A_1, %sub3A : vector<16x10000xf32>
    %exp3A = math.exp %sub3A_3 : vector<16x10000xf32>
    %reduce_sum3A = arith.constant dense<0.000000e+00> : vector<10000xf32>
    %reduce_sum3A_4 = vector.multi_reduction <add>, %exp3A, %reduce_sum3A [0] : vector<16x10000xf32> to vector<10000xf32>
    %broadcast_in_dim3A_5 = vector.shape_cast %reduce_sum3A_4 : vector<10000xf32> to vector<1x10000xf32>
    %div3A = vector.broadcast %broadcast_in_dim3A_5 : vector<1x10000xf32> to vector<16x10000xf32>
    %div3A_6 = arith.divf %exp3A, %div3A : vector<16x10000xf32>
    %get3A_7 = arith.constant 0 : index
    %get3A_8 = arith.constant 0 : index
    %get3A_9 = vector.load %arg1[%get3A_7, %get3A_8] : memref<16x10000xf32, #tpu.memory_space<vmem>>, vector<16x10000xf32>
    %neg3A = arith.constant 0.000000e+00 : f32
    %neg3A_10 = vector.broadcast %neg3A : f32 to vector<16x10000xf32>
    %neg3A_11 = arith.subf %neg3A_10, %get3A_9 : vector<16x10000xf32>
    %exp3A_12 = math.exp %neg3A_11 : vector<16x10000xf32>
    %add3A = arith.constant 1.000000e+00 : f32
    %add3A_13 = vector.broadcast %add3A : f32 to vector<16x10000xf32>
    %add3A_14 = arith.addf %add3A_13, %exp3A_12 : vector<16x10000xf32>
    %div3A_15 = arith.constant 1.000000e+00 : f32
    %div3A_16 = vector.broadcast %div3A_15 : f32 to vector<16x10000xf32>
    %div3A_17 = arith.divf %div3A_16, %add3A_14 : vector<16x10000xf32>
    %mul3A = arith.mulf %div3A_6, %div3A_17 : vector<16x10000xf32>
    %broadcast_in_dim3A_18 = arith.constant 1.000000e+00 : f32
    %broadcast_in_dim3A_19 = vector.broadcast %broadcast_in_dim3A_18 : f32 to vector<1x10000xf32>
    %dot_general3A = arith.constant dense<0.000000e+00> : vector<1x16xf32>
    %dot_general3A_20 = tpu.matmul %broadcast_in_dim3A_19, %mul3A, %dot_general3A {dimension_numbers = #tpu.dot_dimension_numbers<[1], [1], [0], [0], [0, 0, 1, 0], [], []>, precision = #tpu.contract_precision<fp32>, transpose_lhs_hint = false} : vector<1x10000xf32>, vector<16x10000xf32>, vector<1x16xf32> -> vector<1x16xf32>
    %get3A_21 = arith.constant 0 : index
    %get3A_22 = arith.constant 0 : index
    %get3A_23 = vector.load %arg3[%get3A_21, %get3A_22] : memref<33x2048xf32, #tpu.memory_space<vmem>>, vector<33x2048xf32>
    %slice3A = vector.extract_strided_slice %get3A_23 {offsets = [0, 0], sizes = [16, 2048], strides = [1, 1]} : vector<33x2048xf32> to vector<16x2048xf32>
    %slice3A_24 = vector.extract_strided_slice %get3A_23 {offsets = [16, 0], sizes = [16, 2048], strides = [1, 1]} : vector<33x2048xf32> to vector<16x2048xf32>
    %slice3A_25 = vector.extract_strided_slice %get3A_23 {offsets = [32, 0], sizes = [1, 2048], strides = [1, 1]} : vector<33x2048xf32> to vector<1x2048xf32>
    %reduce_max3A_26 = arith.constant dense<0xFF800000> : vector<2048xf32>
    %reduce_max3A_27 = vector.multi_reduction <maximumf>, %slice3A, %reduce_max3A_26 [0] : vector<16x2048xf32> to vector<2048xf32>
    %broadcast_in_dim3A_28 = vector.shape_cast %reduce_max3A_27 : vector<2048xf32> to vector<1x2048xf32>
    %sub3A_29 = vector.broadcast %broadcast_in_dim3A_28 : vector<1x2048xf32> to vector<16x2048xf32>
    %sub3A_30 = arith.subf %slice3A, %sub3A_29 : vector<16x2048xf32>
    %exp3A_31 = math.exp %sub3A_30 : vector<16x2048xf32>
    %reduce_sum3A_32 = arith.constant dense<0.000000e+00> : vector<2048xf32>
    %reduce_sum3A_33 = vector.multi_reduction <add>, %exp3A_31, %reduce_sum3A_32 [0] : vector<16x2048xf32> to vector<2048xf32>
    %broadcast_in_dim3A_34 = vector.shape_cast %reduce_sum3A_33 : vector<2048xf32> to vector<1x2048xf32>
    %div3A_35 = vector.broadcast %broadcast_in_dim3A_34 : vector<1x2048xf32> to vector<16x2048xf32>
    %div3A_36 = arith.divf %exp3A_31, %div3A_35 : vector<16x2048xf32>
    %neg3A_37 = arith.constant 0.000000e+00 : f32
    %neg3A_38 = vector.broadcast %neg3A_37 : f32 to vector<16x2048xf32>
    %neg3A_39 = arith.subf %neg3A_38, %slice3A_24 : vector<16x2048xf32>
    %exp3A_40 = math.exp %neg3A_39 : vector<16x2048xf32>
    %add3A_41 = arith.constant 1.000000e+00 : f32
    %add3A_42 = vector.broadcast %add3A_41 : f32 to vector<16x2048xf32>
    %add3A_43 = arith.addf %add3A_42, %exp3A_40 : vector<16x2048xf32>
    %div3A_44 = arith.constant 1.000000e+00 : f32
    %div3A_45 = vector.broadcast %div3A_44 : f32 to vector<16x2048xf32>
    %div3A_46 = arith.divf %div3A_45, %add3A_43 : vector<16x2048xf32>
    %iota3A = tpu.iota {dimensions = array<i32: 1>} : vector<1x2048xi32>
    %lt3A = arith.constant 2000 : i32
    %lt3A_47 = vector.broadcast %lt3A : i32 to vector<1x2048xi32>
    %lt3A_48 = arith.cmpi slt, %iota3A, %lt3A_47 : vector<1x2048xi32>
    %mul3A_49 = arith.mulf %div3A_36, %div3A_46 : vector<16x2048xf32>
    %jit3A = arith.constant 0.000000e+00 : f32
    %broadcast_in_dim3A_50 = vector.shape_cast %lt3A_48 : vector<1x2048xi1> to vector<1x2048xi1>
    %broadcast_in_dim3A_51 = vector.broadcast %broadcast_in_dim3A_50 : vector<1x2048xi1> to vector<16x2048xi1>
    %broadcast_in_dim3A_52 = vector.broadcast %jit3A : f32 to vector<16x2048xf32>
    %select_n3A = arith.select %broadcast_in_dim3A_51, %mul3A_49, %broadcast_in_dim3A_52 : vector<16x2048xi1>, vector<16x2048xf32>
    %jit3A_53 = arith.constant -1.000000e+30 : f32
    %broadcast_in_dim3A_54 = vector.broadcast %jit3A_53 : f32 to vector<1x2048xf32>
    %select_n3A_55 = arith.select %lt3A_48, %slice3A_25, %broadcast_in_dim3A_54 : vector<1x2048xi1>, vector<1x2048xf32>
    %swap3A = arith.constant 0 : index
    %swap3A_56 = arith.constant 0 : index
    %swap3A_57 = vector.load %arg5[%swap3A, %swap3A_56] : memref<1x2048xf32, #tpu.memory_space<vmem>>, vector<1x2048xf32>
    tpu.vector_store %arg5[%swap3A, %swap3A_56], %select_n3A_55 {strides = array<i32>} : memref<1x2048xf32, #tpu.memory_space<vmem>>, vector<1x2048xf32>,
    %dot_general3A_58 = arith.constant dense<0.000000e+00> : vector<16x16xf32>
    %dot_general3A_59 = tpu.matmul %div3A_36, %select_n3A, %dot_general3A_58 {dimension_numbers = #tpu.dot_dimension_numbers<[1], [1], [0], [0], [0, 0, 1, 0], [], []>, precision = #tpu.contract_precision<fp32>, transpose_lhs_hint = false} : vector<16x2048xf32>, vector<16x2048xf32>, vector<16x16xf32> -> vector<16x16xf32>
    %div3A_60 = vector.broadcast %dot_general3A_20 : vector<1x16xf32> to vector<16x16xf32>
    %div3A_61 = arith.divf %dot_general3A_59, %div3A_60 : vector<16x16xf32>
    %get3A_62 = arith.constant 0 : index
    %get3A_63 = arith.constant 0 : index
    %get3A_64 = vector.load %arg2[%get3A_62, %get3A_63] : memref<8x16xf32, #tpu.memory_space<vmem>>, vector<8x16xf32>
    %dot_general3A_65 = arith.constant dense<0.000000e+00> : vector<8x16xf32>
    %dot_general3A_66 = tpu.matmul %get3A_64, %div3A_61, %dot_general3A_65 {dimension_numbers = #tpu.dot_dimension_numbers<[1], [0], [0], [1], [0, 0, 1, 1], [], []>, precision = #tpu.contract_precision<fp32>, transpose_lhs_hint = false} : vector<8x16xf32>, vector<16x16xf32>, vector<8x16xf32> -> vector<8x16xf32>
    %dot_general3A_67 = arith.constant dense<0.000000e+00> : vector<8x2048xf32>
    %dot_general3A_68 = tpu.matmul %dot_general3A_66, %div3A_36, %dot_general3A_67 {dimension_numbers = #tpu.dot_dimension_numbers<[1], [0], [0], [1], [0, 0, 1, 1], [], []>, precision = #tpu.contract_precision<fp32>, transpose_lhs_hint = false} : vector<8x16xf32>, vector<16x2048xf32>, vector<8x2048xf32> -> vector<8x2048xf32>
    %swap3A_69 = arith.constant 0 : index
    %swap3A_70 = arith.constant 0 : index
    %swap3A_71 = vector.load %arg4[%swap3A_69, %swap3A_70] : memref<8x2048xf32, #tpu.memory_space<vmem>>, vector<8x2048xf32>
    tpu.vector_store %arg4[%swap3A_69, %swap3A_70], %dot_general3A_68 {strides = array<i32>} : memref<8x2048xf32, #tpu.memory_space<vmem>>, vector<8x2048xf32>,
    %dot_general3A_72 = arith.constant dense<0.000000e+00> : vector<8x10000xf32>
    %dot_general3A_73 = tpu.matmul %dot_general3A_66, %div3A_6, %dot_general3A_72 {dimension_numbers = #tpu.dot_dimension_numbers<[1], [0], [0], [1], [0, 0, 1, 1], [], []>, precision = #tpu.contract_precision<fp32>, transpose_lhs_hint = false} : vector<8x16xf32>, vector<16x10000xf32>, vector<8x10000xf32> -> vector<8x10000xf32>
    %convert_element_type3A = arith.truncf %dot_general3A_73 : vector<8x10000xf32> to vector<8x10000xbf16>
    %slice3A_74 = vector.extract_strided_slice %convert_element_type3A {offsets = [0, 0], sizes = [4, 10000], strides = [1, 1]} : vector<8x10000xbf16> to vector<4x10000xbf16>
    %bitcast_convert_type3A = tpu.bitcast %slice3A_74 : vector<4x10000xbf16> -> vector<4x10000xi16>
    %convert_element_type3A_75 = arith.extui %bitcast_convert_type3A : vector<4x10000xi16> to vector<4x10000xi32>
    %slice3A_76 = vector.extract_strided_slice %convert_element_type3A {offsets = [4, 0], sizes = [4, 10000], strides = [1, 1]} : vector<8x10000xbf16> to vector<4x10000xbf16>
    %bitcast_convert_type3A_77 = tpu.bitcast %slice3A_76 : vector<4x10000xbf16> -> vector<4x10000xi16>
    %convert_element_type3A_78 = arith.extui %bitcast_convert_type3A_77 : vector<4x10000xi16> to vector<4x10000xi32>
    %shift_left3A = arith.constant 16 : i32
    %shift_left3A_79 = vector.broadcast %shift_left3A : i32 to vector<4x10000xi32>
    %shift_left3A_80 = arith.shli %convert_element_type3A_78, %shift_left3A_79 : vector<4x10000xi32>
    %or3A = arith.ori %convert_element_type3A_75, %shift_left3A_80 : vector<4x10000xi32>
    %bitcast_convert_type3A_81 = tpu.bitcast %or3A : vector<4x10000xi32> -> vector<4x10000xi32>
    %swap3A_82 = arith.constant 0 : index
    %swap3A_83 = arith.constant 0 : index
    %swap3A_84 = vector.load %arg6[%swap3A_82, %swap3A_83] : memref<4x10000xi32, #tpu.memory_space<vmem>>, vector<4x10000xi32>
    tpu.vector_store %arg6[%swap3A_82, %swap3A_83], %bitcast_convert_type3A_81 {strides = array<i32>} : memref<4x10000xi32, #tpu.memory_space<vmem>>, vector<4x10000xi32>,
    return
  }
}

module attributes {stable_mosaic.version = 14 : i64} {
  func.func @_pair_body(%arg0: i32, %arg1: memref<8x2048xf32, #tpu.memory_space<vmem>>, %arg2: memref<1x2048xf32, #tpu.memory_space<vmem>>, %arg3: memref<8x512xf32, #tpu.memory_space<vmem>>, %arg4: memref<1x512xf32, #tpu.memory_space<vmem>>, %arg5: memref<1x1xf32, #tpu.memory_space<vmem>>) attributes {dimension_semantics = [#tpu.dimension_semantics<arbitrary>], iteration_bounds = array<i64: 4>, scalar_prefetch = 0 : i64, scratch_operands = 0 : i64, tpu.core_type = #tpu.core_type<tc>, window_params = [{pipeline_mode = #tpu.pipeline_mode<synchronous>, transform_indices = @transform_0, window_bounds = array<i64: 8, 2048>}, {pipeline_mode = #tpu.pipeline_mode<synchronous>, transform_indices = @transform_1, window_bounds = array<i64: 1, 2048>}, {transform_indices = @transform_2, window_bounds = array<i64: 8, 512>}, {transform_indices = @transform_3, window_bounds = array<i64: 1, 512>}, {pipeline_mode = #tpu.pipeline_mode<synchronous>, transform_indices = @transform_4, window_bounds = array<i64: 1, 1>}]} {
    %get3A = arith.constant 0 : index
    %get3A_0 = arith.constant 0 : index
    %get3A_1 = vector.load %arg1[%get3A, %get3A_0] : memref<8x2048xf32, #tpu.memory_space<vmem>>, vector<8x2048xf32>
    %get3A_2 = arith.constant 0 : index
    %get3A_3 = arith.constant 0 : index
    %get3A_4 = vector.load %arg2[%get3A_2, %get3A_3] : memref<1x2048xf32, #tpu.memory_space<vmem>>, vector<1x2048xf32>
    %get3A_5 = arith.constant 0 : index
    %get3A_6 = arith.constant 0 : index
    %get3A_7 = vector.load %arg3[%get3A_5, %get3A_6] : memref<8x512xf32, #tpu.memory_space<vmem>>, vector<8x512xf32>
    %get3A_8 = arith.constant 0 : index
    %get3A_9 = arith.constant 0 : index
    %get3A_10 = vector.load %arg4[%get3A_8, %get3A_9] : memref<1x512xf32, #tpu.memory_space<vmem>>, vector<1x512xf32>
    %add3A = arith.constant 2.000000e-06 : f32
    %add3A_11 = vector.broadcast %add3A : f32 to vector<8x512xf32>
    %add3A_12 = arith.addf %get3A_7, %add3A_11 : vector<8x512xf32>
    %mul3A = arith.mulf %get3A_7, %add3A_12 : vector<8x512xf32>
    %broadcast_in_dim3A = arith.constant 1.000000e+00 : f32
    %broadcast_in_dim3A_13 = vector.broadcast %broadcast_in_dim3A : f32 to vector<8x1xf32>
    %dot_general3A = arith.constant dense<0.000000e+00> : vector<512x1xf32>
    %dot_general3A_14 = tpu.matmul %mul3A, %broadcast_in_dim3A_13, %dot_general3A {dimension_numbers = #tpu.dot_dimension_numbers<[0], [0], [1], [1], [0, 1, 1, 1], [], []>, precision = #tpu.contract_precision<fp32>, transpose_lhs_hint = false} : vector<8x512xf32>, vector<8x1xf32>, vector<512x1xf32> -> vector<512x1xf32>
    %broadcast_in_dim3A_15 = arith.constant 1.000000e+00 : f32
    %broadcast_in_dim3A_16 = vector.broadcast %broadcast_in_dim3A_15 : f32 to vector<1x1xf32>
    %dot_general3A_17 = arith.constant dense<0.000000e+00> : vector<512x1xf32>
    %dot_general3A_18 = tpu.matmul %get3A_10, %broadcast_in_dim3A_16, %dot_general3A_17 {dimension_numbers = #tpu.dot_dimension_numbers<[0], [0], [1], [1], [0, 1, 1, 1], [], []>, precision = #tpu.contract_precision<fp32>, transpose_lhs_hint = false} : vector<1x512xf32>, vector<1x1xf32>, vector<512x1xf32> -> vector<512x1xf32>
    %sub3A = arith.constant 2.000000e-06 : f32
    %sub3A_19 = vector.broadcast %sub3A : f32 to vector<8x2048xf32>
    %sub3A_20 = arith.subf %get3A_1, %sub3A_19 : vector<8x2048xf32>
    %mul3A_21 = arith.mulf %get3A_1, %sub3A_20 : vector<8x2048xf32>
    %broadcast_in_dim3A_22 = arith.constant 1.000000e+00 : f32
    %broadcast_in_dim3A_23 = vector.broadcast %broadcast_in_dim3A_22 : f32 to vector<1x8xf32>
    %dot_general3A_24 = arith.constant dense<0.000000e+00> : vector<1x2048xf32>
    %dot_general3A_25 = tpu.matmul %broadcast_in_dim3A_23, %mul3A_21, %dot_general3A_24 {dimension_numbers = #tpu.dot_dimension_numbers<[1], [0], [0], [1], [0, 0, 1, 1], [], []>, precision = #tpu.contract_precision<fp32>, transpose_lhs_hint = false} : vector<1x8xf32>, vector<8x2048xf32>, vector<1x2048xf32> -> vector<1x2048xf32>
    %dot_general3A_26 = arith.constant dense<0.000000e+00> : vector<512x2048xf32>
    %dot_general3A_27 = tpu.matmul %get3A_7, %get3A_1, %dot_general3A_26 {dimension_numbers = #tpu.dot_dimension_numbers<[0], [0], [1], [1], [0, 1, 1, 1], [], []>, transpose_lhs_hint = false} : vector<8x512xf32>, vector<8x2048xf32>, vector<512x2048xf32> -> vector<512x2048xf32>
    %add3A_28 = vector.broadcast %dot_general3A_14 : vector<512x1xf32> to vector<512x2048xf32>
    %add3A_29 = vector.broadcast %dot_general3A_25 : vector<1x2048xf32> to vector<512x2048xf32>
    %add3A_30 = arith.addf %add3A_28, %add3A_29 : vector<512x2048xf32>
    %mul3A_31 = arith.constant 2.000000e+00 : f32
    %mul3A_32 = vector.broadcast %mul3A_31 : f32 to vector<512x2048xf32>
    %mul3A_33 = arith.mulf %mul3A_32, %dot_general3A_27 : vector<512x2048xf32>
    %sub3A_34 = arith.subf %add3A_30, %mul3A_33 : vector<512x2048xf32>
    %add3A_35 = arith.constant 8.000000e-12 : f32
    %add3A_36 = vector.broadcast %add3A_35 : f32 to vector<512x2048xf32>
    %add3A_37 = arith.addf %sub3A_34, %add3A_36 : vector<512x2048xf32>
    %max3A = arith.constant 1.000000e-30 : f32
    %max3A_38 = vector.broadcast %max3A : f32 to vector<512x2048xf32>
    %max3A_39 = arith.maximumf %add3A_37, %max3A_38 : vector<512x2048xf32>
    %rsqrt3A = math.rsqrt %max3A_39 : vector<512x2048xf32>
    %mul3A_40 = arith.mulf %max3A_39, %rsqrt3A : vector<512x2048xf32>
    %add3A_41 = vector.broadcast %dot_general3A_18 : vector<512x1xf32> to vector<512x2048xf32>
    %add3A_42 = vector.broadcast %get3A_4 : vector<1x2048xf32> to vector<512x2048xf32>
    %add3A_43 = arith.addf %add3A_41, %add3A_42 : vector<512x2048xf32>
    %sub3A_44 = arith.subf %add3A_43, %mul3A_40 : vector<512x2048xf32>
    %exp3A = math.exp %sub3A_44 : vector<512x2048xf32>
    %reduce_sum3A = vector.shape_cast %exp3A : vector<512x2048xf32> to vector<1x512x2048xf32>
    %reduce_sum3A_45 = arith.constant dense<0.000000e+00> : vector<1xf32>
    %reduce_sum3A_46 = vector.multi_reduction <add>, %reduce_sum3A, %reduce_sum3A_45 [1, 2] : vector<1x512x2048xf32> to vector<1xf32>
    %reduce_sum3A_47 = vector.shape_cast %reduce_sum3A_46 : vector<1xf32> to vector<1x1x1xf32>
    %reduce_sum3A_48 = vector.extract %reduce_sum3A_47[0, 0, 0] : f32 from vector<1x1x1xf32>
    %broadcast_in_dim3A_49 = vector.broadcast %reduce_sum3A_48 : f32 to vector<1x1xf32>
    %mul3A_50 = arith.constant 5.000000e-01 : f32
    %mul3A_51 = vector.broadcast %mul3A_50 : f32 to vector<1x1xf32>
    %mul3A_52 = arith.mulf %mul3A_51, %broadcast_in_dim3A_49 : vector<1x1xf32>
    %eq3A = arith.constant 0 : i32
    %eq3A_53 = arith.cmpi eq, %arg0, %eq3A : i32
    %convert_element_type3A = arith.extui %eq3A_53 : i1 to i32
    %cond3A = arith.constant 0 : i32
    %cond3A_54 = arith.cmpi ne, %convert_element_type3A, %cond3A : i32
    scf.if %cond3A_54 {
      %mul3A_61 = arith.constant 2.000000e+00 : f32
      %mul3A_62 = vector.broadcast %mul3A_61 : f32 to vector<1x2048xf32>
      %mul3A_63 = arith.mulf %mul3A_62, %get3A_4 : vector<1x2048xf32>
      %sub3A_64 = arith.constant 2.82842711E-6 : f32
      %sub3A_65 = vector.broadcast %sub3A_64 : f32 to vector<1x2048xf32>
      %sub3A_66 = arith.subf %mul3A_63, %sub3A_65 : vector<1x2048xf32>
      %exp3A_67 = math.exp %sub3A_66 : vector<1x2048xf32>
      %reduce_sum3A_68 = vector.shape_cast %exp3A_67 : vector<1x2048xf32> to vector<1x1x2048xf32>
      %reduce_sum3A_69 = arith.constant dense<0.000000e+00> : vector<1xf32>
      %reduce_sum3A_70 = vector.multi_reduction <add>, %reduce_sum3A_68, %reduce_sum3A_69 [1, 2] : vector<1x1x2048xf32> to vector<1xf32>
      %reduce_sum3A_71 = vector.shape_cast %reduce_sum3A_70 : vector<1xf32> to vector<1x1x1xf32>
      %reduce_sum3A_72 = vector.extract %reduce_sum3A_71[0, 0, 0] : f32 from vector<1x1x1xf32>
      %broadcast_in_dim3A_73 = vector.broadcast %reduce_sum3A_72 : f32 to vector<1x1xf32>
      %mul3A_74 = arith.constant -5.000000e-01 : f32
      %mul3A_75 = vector.broadcast %mul3A_74 : f32 to vector<1x1xf32>
      %mul3A_76 = arith.mulf %mul3A_75, %broadcast_in_dim3A_73 : vector<1x1xf32>
      %swap3A_77 = arith.constant 0 : index
      %swap3A_78 = arith.constant 0 : index
      %swap3A_79 = vector.load %arg5[%swap3A_77, %swap3A_78] : memref<1x1xf32, #tpu.memory_space<vmem>>, vector<1x1xf32>
      tpu.vector_store %arg5[%swap3A_77, %swap3A_78], %mul3A_76 {strides = array<i32>} : memref<1x1xf32, #tpu.memory_space<vmem>>, vector<1x1xf32>,
    } else {
    }
    %get3A_55 = arith.constant 0 : index
    %get3A_56 = arith.constant 0 : index
    %get3A_57 = vector.load %arg5[%get3A_55, %get3A_56] : memref<1x1xf32, #tpu.memory_space<vmem>>, vector<1x1xf32>
    %add3A_58 = arith.addf %get3A_57, %mul3A_52 : vector<1x1xf32>
    %swap3A = arith.constant 0 : index
    %swap3A_59 = arith.constant 0 : index
    %swap3A_60 = vector.load %arg5[%swap3A, %swap3A_59] : memref<1x1xf32, #tpu.memory_space<vmem>>, vector<1x1xf32>
    tpu.vector_store %arg5[%swap3A, %swap3A_59], %add3A_58 {strides = array<i32>} : memref<1x1xf32, #tpu.memory_space<vmem>>, vector<1x1xf32>,
    return
  }
  func.func @transform_0(%arg0: i32) -> (i32, i32) {
    %c0_i32 = arith.constant 0 : i32
    %c0_i32_0 = arith.constant 0 : i32
    %c0_i32_1 = arith.constant 0 : i32
    return %c0_i32, %c0_i32_0 : i32, i32
  }
  func.func @transform_1(%arg0: i32) -> (i32, i32) {
    %c0_i32 = arith.constant 0 : i32
    %c0_i32_0 = arith.constant 0 : i32
    %c0_i32_1 = arith.constant 0 : i32
    return %c0_i32, %c0_i32_0 : i32, i32
  }
  func.func @transform_2(%arg0: i32) -> (i32, i32) {
    %c0_i32 = arith.constant 0 : i32
    %c0_i32_0 = arith.constant 0 : i32
    return %c0_i32, %arg0 : i32, i32
  }
  func.func @transform_3(%arg0: i32) -> (i32, i32) {
    %c0_i32 = arith.constant 0 : i32
    %c0_i32_0 = arith.constant 0 : i32
    return %c0_i32, %arg0 : i32, i32
  }
  func.func @transform_4(%arg0: i32) -> (i32, i32) {
    %c0_i32 = arith.constant 0 : i32
    %c0_i32_0 = arith.constant 0 : i32
    %c0_i32_1 = arith.constant 0 : i32
    return %c0_i32, %c0_i32_0 : i32, i32
  }
}

</mosaic_0001>

<sc_bundles>
// kernel: kernel.6.cloned.1.call-start
scs
__scs_entry_jumppad:
0x0: {  	(pc) =	sbr.rel $0x88, $3  }
0x1: {  	(tag) =	ssettag $0x0;
	lr =	simm.s32 $0x1  }
0x2: {  	[smem:$0x3F99] =	sst lr;
	_ =	strace $0xD0000000  }
0x3: {  	_ = 	snop  }
0x4: {  	_ = 	snop  }
0x5: {  	_ = 	snop  }
0x6: {  	_ = 	snop  }
0x7: {  	_ = 	snop  }
__scs_overlays_trampoline_lowered:
0x8: {  	[smem:$0x3FA8] =	sst s0  }
0x9: {  	[smem:$0x3FA9] =	sst s1  }
0xa: {  	[smem:$0x3FAA] =	sst s2  }
0xb: {  	[smem:$0x3FAB] =	sst s3  }
0xc: {  	[smem:$0x3FAC] =	sst s4  }
0xd: {  	[smem:$0x3FAD] =	sst s5  }
0xe: {  	[smem:$0x3FAE] =	sst s6  }
0xf: {  	[smem:$0x3FAF] =	sst s7  }
0x10: {  	[smem:$0x3FB0] =	sst s8  }
0x11: {  	[smem:$0x3FB1] =	sst s9;
	s0 =	simm.s32 @!p0 $0x0  }
0x12: {  	s1 =	sld [smem:$0x3F97];
	s0 =	simm.s32 @p0 $0x1  }
0x13: {  	[smem:$0x3FB2] =	sst s0;
	s0 =	simm.s32 @!p1 $0x0  }
0x14: {  	s2 =	sld [smem:$0x3F96];
	s0 =	simm.s32 @p1 $0x1  }
0x15: {  	[smem:$0x3FB3] =	sst s0;
	s0 =	simm.s32 @!p2 $0x0  }
0x16: {  	s3 =	sld [smem:$0x3FDB];
	s0 =	simm.s32 @p2 $0x1  }
0x17: {  	s4 =	simm.s32 $0x1BF5;
	[smem:$0x3FB5] =	sst s0  }
0x18: {  	s0 =	sld [smem:$0x3F98];
	_ =	swait.ge [sflag:s4], $0x0  }
0x19: {  	s7 =	sld [smem:$0x3F99]  }
0x1a: {  	s8 =	sadd.s32 $0xFFFFE003, lr  }
0x1b: {  	s9 =	sadd.s32 $0xFFFFFEF7, lr;
	s5 =	simm.s32 $0xFFFFFFFF;
	p2 =	slt.u32 s8, $0xFFFFF086  }
0x1c: {  	p1 =	slt.u32 s9, $0xF7A;
	s5 =	simm.s32 @!p2 $0x0  }
0x1d: {  	s5 =	simm.s32 @p1 $0x1;
	p0 =	seq.s32 s7, s2  }
0x1e: {  	s7 =	smul.u32 @!p0 $0xF7A, s2;
	p2 =	seq.s32 @!p0 s5, $0x0  }
0x1f: {  	s9 =	smul.u32 $0xF7A, s1;
	s8 =	simm.s32 @!p0 $0x1BF5;
	p2 =	por !p2, p0  }
0x20: {  	[sflag:s8] =	ssyncset.s32 @!p0 $0xFFFFF086;
	s6 =	sadd.s32 @!p0 s3, s7;
	s7 =	simm.s32 @!p0 $0x108  }
0x21: {  	s3 =	sadd.s32 s3, s9;
	s6 =	sadd.s32 @!p0 $0x88, s6;
	s7 =	simm.s32 @p2 $0x1082  }
0x22: {  	[simem:s7], [sflag:s8] =	dma.local @!p0 [hbm:s6], $0xF7A  }
0x23: {  	s9 =	sor.u32 $0xD0000000, s2;
	s6 =	simm.s32 $0x108;
	_ =	swait.ge @!p0 [sflag:s8], $0x0  }
0x24: {  	s3 =	sadd.s32 $0x88, s3;
	s6 =	simm.s32 @!p1 $0x1082;
	[sflag:s4] =	ssyncset.s32 $0xFFFFF086  }
0x25: {  	[simem:s6], [sflag:s4] =	dma.local [hbm:s3], $0xF7A  }
0x26: {  	[smem:$0x3F99] =	sst s1;
	(tag) =	ssettag s2;
	_ =	strace s9  }
0x27: {  	s1 =	sld [smem:$0x3FA9]  }
0x28: {  	s2 =	sld [smem:$0x3FAA]  }
0x29: {  	s4 =	sld [smem:$0x3FAC]  }
0x2a: {  	p0 =	seq.s32 s5, $0x0;
	s5 =	sld [smem:$0x3FAD]  }
0x2b: {  	s6 =	sld [smem:$0x3FAE]  }
0x2c: {  	s7 =	sld [smem:$0x3FAF]  }
0x2d: {  	s3 =	simm.s32 $0x108;
	s8 =	sld [smem:$0x3FB0]  }
0x2e: {  	s3 =	simm.s32 @!p0 $0x1082;
	s9 =	sld [smem:$0x3FB1]  }
0x2f: {  	lr =	sadd.s32 s0, s3;
	s0 =	sld [smem:$0x3FA8]  }
0x30: {  	s3 =	sld [smem:$0x3FAB]  }
0x31: {  	[smem:$0x3FB4] =	sst s10  }
0x32: {  	s10 =	sld [smem:$0x3FB2];
	_ =	sdelay $0x3  }
0x33: {  	p0 =	seq.s32 s10, $0x1;
	s10 =	sld [smem:$0x3FB4];
	_ =	sdelay $0x3  }
0x34: {  	[smem:$0x3FB4] =	sst s10  }
0x35: {  	s10 =	sld [smem:$0x3FB3];
	_ =	sdelay $0x3  }
0x36: {  	p1 =	seq.s32 s10, $0x1;
	s10 =	sld [smem:$0x3FB4];
	_ =	sdelay $0x3  }
0x37: {  	[smem:$0x3FB4] =	sst s10  }
0x38: {  	s10 =	sld [smem:$0x3FB5]  }
0x39: {  	_ = 	snop;
	(pc) =	sbr.ind lr, $3  }
0x3a: {  	_ = 	snop  }
0x3b: {  	_ = 	snop  }
0x3c: {  	p2 =	seq.s32 s10, $0x1;
	s10 =	sld [smem:$0x3FB4]  }
0x3d: {  	_ =	shalt  }
0x3e: {  	_ =	shalt  }
0x3f: {  	_ =	shalt  }
0x40: {  	_ =	shalt  }
0x41: {  	_ =	shalt  }
0x42: {  	_ =	shalt  }
0x43: {  	_ =	shalt  }
0x44: {  	_ =	shalt  }
0x45: {  	_ =	shalt  }
0x46: {  	_ =	shalt  }
0x47: {  	_ =	shalt  }
0x48: {  	_ =	shalt  }
0x49: {  	_ =	shalt  }
0x4a: {  	_ =	shalt  }
0x4b: {  	_ =	shalt  }
0x4c: {  	_ =	shalt  }
0x4d: {  	_ =	shalt  }
0x4e: {  	_ =	shalt  }
0x4f: {  	_ =	shalt  }
0x50: {  	_ =	shalt  }
0x51: {  	_ =	shalt  }
0x52: {  	_ =	shalt  }
0x53: {  	_ =	shalt  }
0x54: {  	_ =	shalt  }
0x55: {  	_ =	shalt  }
0x56: {  	_ =	shalt  }
0x57: {  	_ =	shalt  }
0x58: {  	_ =	shalt  }
0x59: {  	_ =	shalt  }
0x5a: {  	_ =	shalt  }
0x5b: {  	_ =	shalt  }
0x5c: {  	_ =	shalt  }
0x5d: {  	_ =	shalt  }
0x5e: {  	_ =	shalt  }
0x5f: {  	_ =	shalt  }
0x60: {  	_ =	shalt  }
0x61: {  	_ =	shalt  }
0x62: {  	_ =	shalt  }
0x63: {  	_ =	shalt  }
0x64: {  	_ =	shalt  }
0x65: {  	_ =	shalt  }
0x66: {  	_ =	shalt  }
0x67: {  	_ =	shalt  }
0x68: {  	_ =	shalt  }
0x69: {  	_ =	shalt  }
0x6a: {  	_ =	shalt  }
0x6b: {  	_ =	shalt  }
0x6c: {  	_ =	shalt  }
0x6d: {  	_ =	shalt  }
0x6e: {  	_ =	shalt  }
0x6f: {  	_ =	shalt  }
0x70: {  	_ =	shalt  }
0x71: {  	_ =	shalt  }
0x72: {  	_ =	shalt  }
0x73: {  	_ =	shalt  }
0x74: {  	_ =	shalt  }
0x75: {  	_ =	shalt  }
0x76: {  	_ =	shalt  }
0x77: {  	_ =	shalt  }
0x78: {  	_ =	shalt  }
0x79: {  	_ =	shalt  }
0x7a: {  	_ =	shalt  }
0x7b: {  	_ =	shalt  }
0x7c: {  	_ =	shalt  }
0x7d: {  	_ =	shalt  }
0x7e: {  	_ =	shalt  }
0x7f: {  	_ =	shalt  }
0x80: {  	_ =	shalt  }
0x81: {  	_ =	shalt  }
0x82: {  	_ =	shalt  }
0x83: {  	_ =	shalt  }
0x84: {  	_ =	shalt  }
0x85: {  	_ =	shalt  }
0x86: {  	_ =	shalt  }
0x87: {  	_ =	shalt  }
.Lfunc_end0:
.L_simem_size_0:
called_computation_lowered:
.L_overlay_start_0:
0x88: {  	s2 =	sld [smem:$0x3FD9]  }
0x89: {  	s3 =	sld [smem:$0x3FFE];
	_ =	sdelay $0x1  }
0x8a: {  	s1 =	srdreg.scid  }
0x8b: {  	s0 =	sand.u32 $0x1, s1  }
0x8c: {  	s17 =	sshll.u32 s0, $0xA;
	s2 =	sadd.s32 s3, s2  }
0x8d: {  	s2 =	sadd.s32 s2, s17  }
0x8e: {  	[smem:$0x3FC0] =	sst s2  }
0x8f: {  	_ = 	snop  }
0x90: {  	s2 =	sld [smem:$0x3FC9];
	(tm) =	ssettm $0x1  }
0x91: {  	s18 =	sld [smem:$0x3FFB];
	_ =	sdelay $0x3  }
0x92: {  	_ =	strace s18  }
0x93: {  	s3 =	sld [smem:$0x3FFC];
	_ =	sdelay $0x3  }
0x94: {  	_ =	strace s3  }
0x95: {  	s3 =	sld [smem:$0x3FFD];
	_ =	sdelay $0x3  }
0x96: {  	_ =	strace s3  }
0x97: {  	_ =	strace $0x8FFFFFFF  }
0x98: {  	s19 =	sld [smem:$0x3FDB];
	_ =	sdelay $0x1  }
0x99: {  	s4 =	simm.s32 $_scs_section_size  }
0x9a: {  	s5 =	simm.s32 $_size__tile_overlayer_lowered;
	s6 =	simm.s32 $_tile_overlayer_lowered  }
0x9b: {  	s22 =	simm.s32 $0x1BFF;
	s21 =	sshll.u32 s6, $0x1;
	s3 =	sadd.s32 s4, s19  }
0x9c: {  	s7 =	simm.s32 $0x0;
	s20 =	sshll.u32 s5, $0x1;
	s5 =	sadd.s32 s21, s3  }
0x9d: {  	[timem:s7], [sflag:s22] =	dma.local [hbm:s5], s20  }
0x9e: {  	_ =	swait.ge [sflag:s22], s20  }
0x9f: {  	s4 =	ssub.s32 $0x0, s20;
	[sflag:s22] =	ssyncset.done $0x0  }
0xa0: {  	[sflag:s22] =	ssyncadd.s32 s4;
	_ =	sdelay $0x1  }
0xa1: {  	s23 =	simm.s32 $0x1B8B  }
0xa2: {  	_ =	swait.ge [sflag:s23], $0x1  }
0xa3: {  	[sflag:s23] =	ssyncset.done $0x0  }
0xa4: {  	s25 =	simm.s32 $0x1B8E;
	s24 =	sld [smem:$0x3FFE];
	[sflag:s23] =	ssyncadd.s32 $0xFFFFFFFF  }
0xa5: {  	s26 =	simm.s32 $execute0_lowered;
	[smem:$0x3FD2] =	sst s25  }
0xa6: {  	s5 =	sshll.u32 s26, $0x1;
	_ =	strace $0x80000046;
	[dreg:$0x1] =	wrdreg $0xFFFFFFFF  }
0xa7: {  	s28 =	simm.s32 $_size_execute0_lowered;
	s3 =	sadd.s32 s3, s5;
	[dreg:$0x0] =	wrdreg $0x0  }
0xa8: {  	s5 =	sshll.u32 s28, $0x1;
	[dreg:$0x2] =	wrdreg s3  }
0xa9: {  	[dreg:$0x3] =	wrdreg s5  }
0xaa: {  	[dreg:$0x4] =	wrdreg $0xC0  }
0xab: {  	_ =	task [dreg:s7], $0x5FFFF  }
0xac: {  	[dreg:$0x1] =	wrdreg $0xFFFFFFFF  }
0xad: {  	[dreg:$0x0] =	wrdreg $0x60  }
0xae: {  	[dreg:$0x2] =	wrdreg s24  }
0xaf: {  	[dreg:$0x3] =	wrdreg s2  }
0xb0: {  	[dreg:$0x4] =	wrdreg $0x9  }
0xb1: {  	_ =	task.clear_ibuf [dreg:s7], $0x5FFFF;
	_ =	strace $0x90000046  }
0xb2: {  	s29 =	simm.s32 $0x9;
	_ =	strace $0x80000048  }
0xb3: {  	_ =	swait.ge [sflag:s29], $0x1  }
0xb4: {  	[sflag:s29] =	ssyncadd.s32 $0xFFFFFFFF  }
0xb5: {  	_ =	strace $0x90000048  }
0xb6: {  	_ =	sfence  }
0xb7: {  	s30 =	sld [smem:$0x0];
	_ =	sdelay $0x2  }
0xb8: {  	s31 =	sshll.u32 s1, $0xD;
	s1 =	sshrl.u32 s1, $0x2  }
0xb9: {  	s3 =	sand.u32 $0x4000, s31;
	s1 =	sadd.s32 s1, s30  }
0xba: {  	s0 =	sor.u32 s3, s0;
	s1 =	sshll.u32 s1, $0x11  }
0xbb: {  	s0 =	sor.u32 s1, s0  }
0xbc: {  	s0 =	sadd.s32 $0x8F2B, s0  }
0xbd: {  	[sflag:s0] =	ssyncadd.remote.s32 $0x1  }
0xbe: {  	_ =	sfence.sel $0xFFFF  }
0xbf: {  	[dreg:$0x0] =	wrdreg $0xFFFFFFFF;
	(pc) =	sbr.abs _section_cstart, $3  }
0xc0: {  	[dreg:$0x1] =	wrdreg $0xFFFFFFFF  }
0xc1: {  	_ =	task.clear_ibuf [dreg:s7], $0x2FFFF;
	_ =	strace $0x9FFFFFFF  }
0xc2: {  	(tm) =	ssettm $0x7FFFFFFF  }
0xc3: {  	_ =	shalt  }
tec
execute0_lowered:
.L_overlay_start_1:
0x0: {  	(tag) =	ssettag $0x1  }
0x1: {  	s0 =	srdreg.scid;
	s4 =	rddreg [dreg:$0x0]  }
0x2: {  	s11 =	stileid.u32;
	s1 =	rddreg [dreg:$0x1]  }
0x3: {  	s2 =	simm.s32 $0x0;
	s12 =	simm.s32 $0x3;
	s13 =	simm.s32 $0x3710  }
0x4: {  	s6 =	sand.u32 $0x1, s0;
	s29 =	sshll.u32 s11, $0x1;
	s0 =	rddreg [dreg:$0x2]  }
0x5: {  	[smem:$0x7FF] =	sst s2;
	s10 =	sadd.s32 $0xB000, s4;
	p0 =	slt.u32 s11, $0x8  }
0x6: {  	s5 =	sor.u32 s6, s29;
	_ =	strace $0x80000047;
	s9 =	ssub.s32 $0x2, s6  }
0x7: {  	s31 =	sshll.u32 s6, $0x7;
	s6 =	sshll.u32 s6, $0xA;
	s3 =	smul.u32 $0x2710, s5  }
0x8: {  	s7 =	smul.u32 $0x4E2, s5;
	s30 =	sshrl.u32 s9, $0x1;
	s5 =	sshll.u32 s5, $0x8  }
0x9: {  	s14 =	sadd.s32 $0x2710, s6;
	s9 =	ssub.s32 s9, s30;
	s3 =	sadd.s32 $0xFFFD8F00, s3  }
0xa: {  	s5 =	sadd.s32 s10, s5;
	s7 =	sadd.s32 s7, s4;
	s3 =	sshrl.u32 s3, $0x3  }
.Ltmp0:
0xb: {  	v0 =	vmov s14;
	s8 =	sadd.s32 s3, s4;
	s3 =	sadd.s32 $0xAE00, s4;
	(pc) =	sbr.rel .LBB2_1-.Ltmp0, $4  }
0xc: {  	s4 =	sadd.s32 $0xE00, s8;
	s8 =	sadd.s32 $0x5E00, s7;
	s7 =	sadd.s32 s31, s10  }
0xd: {  	s14 =	simm.s32 $0x0;
	s10 =	simm.s32 $0x2;
	s6 =	sadd.s32 $0x2000, s7  }
0xe: {  	s7 =	smax.u32 s9, $0x1;
	s4 =	smov.u32 @p0 s8;
	s8 =	simm.s32 $0x2710  }
0xf: {  	s9 =	simm.s32 $0x1;
	p0 =	sne.s32 s11, $0x0;
	s11 =	simm.s32 $0x2F10  }
.LBB2_6:
0x10: {  	_ =	sdelay $0x3  }
0x11: {  	v1 =	vld.idx.msk [tilespmem:v0+s15+$0x0 ss:$0x1], $0xffff;
	_ =	sdelay $0x7  }
0x12: {  	v1 =	vld.idx.msk [tilespmem:v1+s2+$0x0], $0xffff;
	_ =	sdelay $0x4  }
0x13: {  	[tilespmem:s15+$0x3710] =	vst v1  }
0x14: {  	[hbm4b:s6+s2] =	stream.linear.scatter [tilespmem:s13], [sflag:$0x3], $0x400, $0x38;
	[tilespmem:$0x3B10] =	vst v63  }
0x15: {  	_ =	swait.ge [sflag:s12], $0x400  }
0x16: {  	[sflag:s12] =	ssyncset.done $0x0  }
0x17: {  	[sflag:s12] =	ssyncadd.s32 $0xFFFFFC00  }
.LBB2_7:
0x18: {  	s14 =	sadd.s32 $0x1, s14  }
0x19: {  	p1 =	sne.s32 s14, s7  }
.Ltmp1:
0x1a: {  	_ = 	snop;
	(pc) =	sbr.rel @!p1 .LBB2_8-.Ltmp1, $1  }
0x1b: {  	_ =	sdelay $0x3  }
.LBB2_1:
0x1c: {  	[tilespmem:s8], [sflag:$0x1] =	stream.linear.gather [hbm4b:s3+s2], $0x800, $0x38;
	[tilespmem:$0x3B10] =	vst v63  }
0x1d: {  	_ = 	snop  }
0x1e: {  	[tilespmem:s2], [sflag:$0x2] =	stream.linear.gather [hbm4b:s4+s2], $0x2710, $0x38;
	[tilespmem:$0x3B10] =	vst v63  }
0x1f: {  	_ =	swait.ge [sflag:s9], $0x800  }
0x20: {  	[sflag:s9] =	ssyncset.done $0x0  }
0x21: {  	[sflag:s9] =	ssyncadd.s32 $0xFFFFF800  }
0x22: {  	_ =	swait.ge [sflag:s10], $0x2710  }
0x23: {  	[sflag:s10] =	ssyncset.done $0x0  }
0x24: {  	s15 =	simm.s32 $0x0;
	[sflag:s10] =	ssyncadd.s32 $0xFFFFD8F0  }
0x25: {  	v1 =	vld [tilespmem:s15+$0x2710];
	_ =	sdelay $0x7  }
0x26: {  	s16 =	simm.s32 $0x10;
	s17 =	simm.s32 $0x80;
	v1 =	vld.idx.msk [tilespmem:v1+s2+$0x0], $0xffff  }
.LBB2_2:
0x27: {  	p1 =	sne.s32 s17, $0x1FC0;
	v2 =	vld [tilespmem:s16+$0x2710];
	_ =	sdelay $0x3  }
.Ltmp2:
0x28: {  	(pc) =	sbr.rel @p1 .LBB2_2-.Ltmp2, $2  }
0x29: {  	[tilespmem:s15+$0x2F10] =	vst v1;
	s15 =	smov.u32 s16;
	_ =	sdelay $0x2  }
0x2a: {  	s16 =	sshra.s32 s17, $0x2;
	s17 =	sadd.s32 $0x40, s17;
	v1 =	vld.idx.msk [tilespmem:v2+s2+$0x0], $0xffff  }
0x2b: {  	v2 =	vld [tilespmem:s16+$0x2710];
	_ =	sdelay $0x6  }
0x2c: {  	[tilespmem:s15+$0x2F10] =	vst v1  }
0x2d: {  	v1 =	vld.idx.msk [tilespmem:v2+s2+$0x0], $0xffff;
	_ =	sdelay $0x4  }
.Ltmp3:
0x2e: {  	[tilespmem:s16+$0x2F10] =	vst v1;
	(pc) =	sbr.rel @p0 .LBB2_7-.Ltmp3, $4  }
0x2f: {  	[hbm4b:s5+s2] =	stream.linear.scatter [tilespmem:s11], [sflag:$0x3], $0x800, $0x38;
	[tilespmem:$0x3B10] =	vst v63  }
0x30: {  	_ =	swait.ge [sflag:s12], $0x800  }
0x31: {  	[sflag:s12] =	ssyncset.done $0x0  }
0x32: {  	[sflag:s12] =	ssyncadd.s32 $0xFFFFF800  }
0x33: {  	s15 =	simm.s32 $0x0  }
0x34: {  	[tilespmem:s15], [sflag:$0x3] =	stream.linear.gather [hbm4b:s1+s15], $0x2710, $0x38;
	[tilespmem:$0x3B10] =	vst v63  }
0x35: {  	_ =	swait.ge [sflag:s12], $0x2710  }
0x36: {  	[sflag:s12] =	ssyncset.done $0x0  }
0x37: {  	s16 =	simm.s32 $0x40;
	s15 =	simm.s32 $0x0;
	[sflag:s12] =	ssyncadd.s32 $0xFFFFD8F0  }
.LBB2_5:
0x38: {  	p1 =	sne.s32 s16, $0xFC0;
	v1 =	vld.idx.msk [tilespmem:v0+s15+$0x0 ss:$0x1], $0xffff;
	_ =	sdelay $0x7  }
0x39: {  	v1 =	vld.idx.msk [tilespmem:v1+s2+$0x0], $0xffff;
	_ =	sdelay $0x1  }
.Ltmp4:
0x3a: {  	(pc) =	sbr.rel @p1 .LBB2_5-.Ltmp4, $2  }
0x3b: {  	_ =	sdelay $0x2  }
0x3c: {  	[tilespmem:s15+$0x3710] =	vst v1;
	s15 =	sshra.s32 s16, $0x2;
	s16 =	sadd.s32 $0x40, s16  }
.Ltmp5:
0x3d: {  	_ = 	snop;
	(pc) =	sbr.rel .LBB2_6-.Ltmp5, $1  }
0x3e: {  	_ =	sdelay $0x3  }
.LBB2_8:
0x3f: {  	_ =	sfence.sel $0x180000  }
0x40: {  	[bflag:$0x0] =	sbarrier.arrive $0xFFFF  }
0x41: {  	_ =	strace $0x90000047  }
0x42: {  	s0 =	sadd.s32 @!p0 $0x100000, s0;
	[bflag:$0x2] =	sbarrier.arrive $0xFFFF  }
0x43: {  	[sflag:s0] =	ssyncadd.tile.s32 @!p0 $0x1;
	_ =	shalt  }
.Lfunc_end2:
_tile_overlayer_lowered:
.L_overlay_start_2:
0x44: {  	(tag) =	ssettag $0x2  }
0x45: {  	s0 =	rddreg [dreg:$0x0];
	s2 =	stileid.u32  }
0x46: {  	s1 =	rddreg [dreg:$0x1];
	p0 =	sne.s32 s2, $0x0  }
0x47: {  	s3 =	rddreg [dreg:$0x2];
	[bflag:$0x3] =	sbarrier.arrive $0xFFFF;
	s2 =	simm.s32 @!p0 $0x1C03  }
0x48: {  	[timem:s3], [sflag:s2] =	dma.local @!p0 [hbm:s0], s1  }
0x49: {  	s0 =	simm.s32 @!p0 $0x3  }
0x4a: {  	_ =	swait.ge @!p0 [sflag:s0], s1  }
0x4b: {  	s1 =	ssub.s32 @!p0 $0x0, s1;
	[sflag:s0] =	ssyncset.done @!p0 $0x0  }
0x4c: {  	[sflag:s0] =	ssyncadd.s32 @!p0 s1  }
0x4d: {  	[bflag:$0x3] =	sbarrier.arrive $0xFFFF  }
0x4e: {  	_ =	shalt  }

// kernel: kernel.9.cloned.1.call-start
scs
__scs_entry_jumppad:
0x0: {  	(pc) =	sbr.rel $0x88, $3  }
0x1: {  	(tag) =	ssettag $0x0;
	lr =	simm.s32 $0x1  }
0x2: {  	[smem:$0x3F99] =	sst lr;
	_ =	strace $0xD0000000  }
0x3: {  	_ = 	snop  }
0x4: {  	_ = 	snop  }
0x5: {  	_ = 	snop  }
0x6: {  	_ = 	snop  }
0x7: {  	_ = 	snop  }
__scs_overlays_trampoline_lowered:
0x8: {  	[smem:$0x3FA8] =	sst s0  }
0x9: {  	[smem:$0x3FA9] =	sst s1  }
0xa: {  	[smem:$0x3FAA] =	sst s2  }
0xb: {  	[smem:$0x3FAB] =	sst s3  }
0xc: {  	[smem:$0x3FAC] =	sst s4  }
0xd: {  	[smem:$0x3FAD] =	sst s5  }
0xe: {  	[smem:$0x3FAE] =	sst s6  }
0xf: {  	[smem:$0x3FAF] =	sst s7  }
0x10: {  	[smem:$0x3FB0] =	sst s8  }
0x11: {  	[smem:$0x3FB1] =	sst s9;
	s0 =	simm.s32 @!p0 $0x0  }
0x12: {  	s1 =	sld [smem:$0x3F97];
	s0 =	simm.s32 @p0 $0x1  }
0x13: {  	[smem:$0x3FB2] =	sst s0;
	s0 =	simm.s32 @!p1 $0x0  }
0x14: {  	s2 =	sld [smem:$0x3F96];
	s0 =	simm.s32 @p1 $0x1  }
0x15: {  	[smem:$0x3FB3] =	sst s0;
	s0 =	simm.s32 @!p2 $0x0  }
0x16: {  	s3 =	sld [smem:$0x3FDB];
	s0 =	simm.s32 @p2 $0x1  }
0x17: {  	s4 =	simm.s32 $0x1BF5;
	[smem:$0x3FB5] =	sst s0  }
0x18: {  	s0 =	sld [smem:$0x3F98];
	_ =	swait.ge [sflag:s4], $0x0  }
0x19: {  	s7 =	sld [smem:$0x3F99]  }
0x1a: {  	s8 =	sadd.s32 $0xFFFFE003, lr  }
0x1b: {  	s9 =	sadd.s32 $0xFFFFFEF7, lr;
	s5 =	simm.s32 $0xFFFFFFFF;
	p2 =	slt.u32 s8, $0xFFFFF086  }
0x1c: {  	p1 =	slt.u32 s9, $0xF7A;
	s5 =	simm.s32 @!p2 $0x0  }
0x1d: {  	s5 =	simm.s32 @p1 $0x1;
	p0 =	seq.s32 s7, s2  }
0x1e: {  	s7 =	smul.u32 @!p0 $0xF7A, s2;
	p2 =	seq.s32 @!p0 s5, $0x0  }
0x1f: {  	s9 =	smul.u32 $0xF7A, s1;
	s8 =	simm.s32 @!p0 $0x1BF5;
	p2 =	por !p2, p0  }
0x20: {  	[sflag:s8] =	ssyncset.s32 @!p0 $0xFFFFF086;
	s6 =	sadd.s32 @!p0 s3, s7;
	s7 =	simm.s32 @!p0 $0x108  }
0x21: {  	s3 =	sadd.s32 s3, s9;
	s6 =	sadd.s32 @!p0 $0x88, s6;
	s7 =	simm.s32 @p2 $0x1082  }
0x22: {  	[simem:s7], [sflag:s8] =	dma.local @!p0 [hbm:s6], $0xF7A  }
0x23: {  	s9 =	sor.u32 $0xD0000000, s2;
	s6 =	simm.s32 $0x108;
	_ =	swait.ge @!p0 [sflag:s8], $0x0  }
0x24: {  	s3 =	sadd.s32 $0x88, s3;
	s6 =	simm.s32 @!p1 $0x1082;
	[sflag:s4] =	ssyncset.s32 $0xFFFFF086  }
0x25: {  	[simem:s6], [sflag:s4] =	dma.local [hbm:s3], $0xF7A  }
0x26: {  	[smem:$0x3F99] =	sst s1;
	(tag) =	ssettag s2;
	_ =	strace s9  }
0x27: {  	s1 =	sld [smem:$0x3FA9]  }
0x28: {  	s2 =	sld [smem:$0x3FAA]  }
0x29: {  	s4 =	sld [smem:$0x3FAC]  }
0x2a: {  	p0 =	seq.s32 s5, $0x0;
	s5 =	sld [smem:$0x3FAD]  }
0x2b: {  	s6 =	sld [smem:$0x3FAE]  }
0x2c: {  	s7 =	sld [smem:$0x3FAF]  }
0x2d: {  	s3 =	simm.s32 $0x108;
	s8 =	sld [smem:$0x3FB0]  }
0x2e: {  	s3 =	simm.s32 @!p0 $0x1082;
	s9 =	sld [smem:$0x3FB1]  }
0x2f: {  	lr =	sadd.s32 s0, s3;
	s0 =	sld [smem:$0x3FA8]  }
0x30: {  	s3 =	sld [smem:$0x3FAB]  }
0x31: {  	[smem:$0x3FB4] =	sst s10  }
0x32: {  	s10 =	sld [smem:$0x3FB2];
	_ =	sdelay $0x3  }
0x33: {  	p0 =	seq.s32 s10, $0x1;
	s10 =	sld [smem:$0x3FB4];
	_ =	sdelay $0x3  }
0x34: {  	[smem:$0x3FB4] =	sst s10  }
0x35: {  	s10 =	sld [smem:$0x3FB3];
	_ =	sdelay $0x3  }
0x36: {  	p1 =	seq.s32 s10, $0x1;
	s10 =	sld [smem:$0x3FB4];
	_ =	sdelay $0x3  }
0x37: {  	[smem:$0x3FB4] =	sst s10  }
0x38: {  	s10 =	sld [smem:$0x3FB5]  }
0x39: {  	_ = 	snop;
	(pc) =	sbr.ind lr, $3  }
0x3a: {  	_ = 	snop  }
0x3b: {  	_ = 	snop  }
0x3c: {  	p2 =	seq.s32 s10, $0x1;
	s10 =	sld [smem:$0x3FB4]  }
0x3d: {  	_ =	shalt  }
0x3e: {  	_ =	shalt  }
0x3f: {  	_ =	shalt  }
0x40: {  	_ =	shalt  }
0x41: {  	_ =	shalt  }
0x42: {  	_ =	shalt  }
0x43: {  	_ =	shalt  }
0x44: {  	_ =	shalt  }
0x45: {  	_ =	shalt  }
0x46: {  	_ =	shalt  }
0x47: {  	_ =	shalt  }
0x48: {  	_ =	shalt  }
0x49: {  	_ =	shalt  }
0x4a: {  	_ =	shalt  }
0x4b: {  	_ =	shalt  }
0x4c: {  	_ =	shalt  }
0x4d: {  	_ =	shalt  }
0x4e: {  	_ =	shalt  }
0x4f: {  	_ =	shalt  }
0x50: {  	_ =	shalt  }
0x51: {  	_ =	shalt  }
0x52: {  	_ =	shalt  }
0x53: {  	_ =	shalt  }
0x54: {  	_ =	shalt  }
0x55: {  	_ =	shalt  }
0x56: {  	_ =	shalt  }
0x57: {  	_ =	shalt  }
0x58: {  	_ =	shalt  }
0x59: {  	_ =	shalt  }
0x5a: {  	_ =	shalt  }
0x5b: {  	_ =	shalt  }
0x5c: {  	_ =	shalt  }
0x5d: {  	_ =	shalt  }
0x5e: {  	_ =	shalt  }
0x5f: {  	_ =	shalt  }
0x60: {  	_ =	shalt  }
0x61: {  	_ =	shalt  }
0x62: {  	_ =	shalt  }
0x63: {  	_ =	shalt  }
0x64: {  	_ =	shalt  }
0x65: {  	_ =	shalt  }
0x66: {  	_ =	shalt  }
0x67: {  	_ =	shalt  }
0x68: {  	_ =	shalt  }
0x69: {  	_ =	shalt  }
0x6a: {  	_ =	shalt  }
0x6b: {  	_ =	shalt  }
0x6c: {  	_ =	shalt  }
0x6d: {  	_ =	shalt  }
0x6e: {  	_ =	shalt  }
0x6f: {  	_ =	shalt  }
0x70: {  	_ =	shalt  }
0x71: {  	_ =	shalt  }
0x72: {  	_ =	shalt  }
0x73: {  	_ =	shalt  }
0x74: {  	_ =	shalt  }
0x75: {  	_ =	shalt  }
0x76: {  	_ =	shalt  }
0x77: {  	_ =	shalt  }
0x78: {  	_ =	shalt  }
0x79: {  	_ =	shalt  }
0x7a: {  	_ =	shalt  }
0x7b: {  	_ =	shalt  }
0x7c: {  	_ =	shalt  }
0x7d: {  	_ =	shalt  }
0x7e: {  	_ =	shalt  }
0x7f: {  	_ =	shalt  }
0x80: {  	_ =	shalt  }
0x81: {  	_ =	shalt  }
0x82: {  	_ =	shalt  }
0x83: {  	_ =	shalt  }
0x84: {  	_ =	shalt  }
0x85: {  	_ =	shalt  }
0x86: {  	_ =	shalt  }
0x87: {  	_ =	shalt  }
.Lfunc_end0:
.L_simem_size_0:
called_computation.1_lowered:
.L_overlay_start_0:
0x88: {  	s2 =	sld [smem:$0x3FD9]  }
0x89: {  	s3 =	sld [smem:$0x3FFE];
	_ =	sdelay $0x1  }
0x8a: {  	s1 =	srdreg.scid  }
0x8b: {  	s0 =	sand.u32 $0x1, s1  }
0x8c: {  	s17 =	sshll.u32 s0, $0xA;
	s2 =	sadd.s32 s3, s2  }
0x8d: {  	s2 =	sadd.s32 s2, s17  }
0x8e: {  	[smem:$0x3FC0] =	sst s2  }
0x8f: {  	_ = 	snop  }
0x90: {  	s2 =	sld [smem:$0x3FC9]  }
0x91: {  	s18 =	sld [smem:$0x3FC4]  }
0x92: {  	s4 =	sld [smem:$0x3FC3]  }
0x93: {  	s5 =	sld [smem:$0x3FC2];
	(tm) =	ssettm $0x1  }
0x94: {  	s6 =	sld [smem:$0x3FFB];
	_ =	sdelay $0x3  }
0x95: {  	_ =	strace s6  }
0x96: {  	s6 =	sld [smem:$0x3FFC];
	_ =	sdelay $0x3  }
0x97: {  	_ =	strace s6  }
0x98: {  	s6 =	sld [smem:$0x3FFD];
	_ =	sdelay $0x3  }
0x99: {  	_ =	strace s6  }
0x9a: {  	_ =	strace $0x8FFFFFFF  }
0x9b: {  	s19 =	sld [smem:$0x3FDB];
	_ =	sdelay $0x1  }
0x9c: {  	s7 =	simm.s32 $_scs_section_size  }
0x9d: {  	s8 =	simm.s32 $_size__tile_overlayer_lowered;
	s9 =	simm.s32 $_tile_overlayer_lowered  }
0x9e: {  	s22 =	simm.s32 $0x1BFF;
	s21 =	sshll.u32 s9, $0x1;
	s6 =	sadd.s32 s7, s19  }
0x9f: {  	s10 =	simm.s32 $0x0;
	s20 =	sshll.u32 s8, $0x1;
	s8 =	sadd.s32 s21, s6  }
0xa0: {  	[timem:s10], [sflag:s22] =	dma.local [hbm:s8], s20  }
0xa1: {  	_ =	swait.ge [sflag:s22], s20  }
0xa2: {  	s7 =	ssub.s32 $0x0, s20;
	[sflag:s22] =	ssyncset.done $0x0  }
0xa3: {  	[sflag:s22] =	ssyncadd.s32 s7;
	_ =	sdelay $0x1  }
0xa4: {  	s23 =	simm.s32 $0x1B8B  }
0xa5: {  	_ =	swait.ge [sflag:s23], $0x1  }
0xa6: {  	[sflag:s23] =	ssyncset.done $0x0  }
0xa7: {  	s25 =	simm.s32 $0x1B8E;
	s24 =	sld [smem:$0x3FFE];
	[sflag:s23] =	ssyncadd.s32 $0xFFFFFFFF  }
0xa8: {  	s26 =	simm.s32 $execute0_lowered;
	[smem:$0x3FD2] =	sst s25  }
0xa9: {  	s8 =	sshll.u32 s26, $0x1;
	_ =	strace $0x80000049;
	[dreg:$0x1] =	wrdreg $0xFFFFFFFF  }
0xaa: {  	s28 =	simm.s32 $_size_execute0_lowered;
	s6 =	sadd.s32 s6, s8;
	[dreg:$0x0] =	wrdreg $0x0  }
0xab: {  	s8 =	sshll.u32 s28, $0x1;
	[dreg:$0x2] =	wrdreg s6  }
0xac: {  	[dreg:$0x3] =	wrdreg s8  }
0xad: {  	[dreg:$0x4] =	wrdreg $0xC0  }
0xae: {  	_ =	task [dreg:s10], $0x5FFFF  }
0xaf: {  	[dreg:$0x1] =	wrdreg $0xFFFFFFFF  }
0xb0: {  	[dreg:$0x0] =	wrdreg $0x60  }
0xb1: {  	[dreg:$0x2] =	wrdreg s24  }
0xb2: {  	[dreg:$0x3] =	wrdreg s2  }
0xb3: {  	[dreg:$0x4] =	wrdreg s18  }
0xb4: {  	[dreg:$0x5] =	wrdreg s4  }
0xb5: {  	[dreg:$0x6] =	wrdreg s5  }
0xb6: {  	[dreg:$0x7] =	wrdreg $0x9  }
0xb7: {  	_ =	task.clear_ibuf [dreg:s10], $0x8FFFF;
	_ =	strace $0x90000049  }
0xb8: {  	s29 =	simm.s32 $0x9;
	_ =	strace $0x8000004B  }
0xb9: {  	_ =	swait.ge [sflag:s29], $0x1  }
0xba: {  	[sflag:s29] =	ssyncadd.s32 $0xFFFFFFFF  }
0xbb: {  	_ =	strace $0x9000004B  }
0xbc: {  	_ =	sfence  }
0xbd: {  	s30 =	sld [smem:$0x0];
	_ =	sdelay $0x2  }
0xbe: {  	s31 =	sshll.u32 s1, $0xD;
	s1 =	sshrl.u32 s1, $0x2  }
0xbf: {  	s3 =	sand.u32 $0x4000, s31;
	s1 =	sadd.s32 s1, s30  }
0xc0: {  	s0 =	sor.u32 s3, s0;
	s1 =	sshll.u32 s1, $0x11  }
0xc1: {  	s0 =	sor.u32 s1, s0  }
0xc2: {  	s0 =	sadd.s32 $0x8F2B, s0  }
0xc3: {  	[sflag:s0] =	ssyncadd.remote.s32 $0x1  }
0xc4: {  	_ =	sfence.sel $0xFFFF  }
0xc5: {  	[dreg:$0x0] =	wrdreg $0xFFFFFFFF;
	(pc) =	sbr.abs _section_cstart, $3  }
0xc6: {  	[dreg:$0x1] =	wrdreg $0xFFFFFFFF  }
0xc7: {  	_ =	task.clear_ibuf [dreg:s10], $0x2FFFF;
	_ =	strace $0x9FFFFFFF  }
0xc8: {  	(tm) =	ssettm $0x7FFFFFFF  }
0xc9: {  	_ =	shalt  }
tec
execute0_lowered:
.L_overlay_start_1:
0x0: {  	(tag) =	ssettag $0x1  }
0x1: {  	s5 =	rddreg [dreg:$0x0]  }
0x2: {  	s1 =	rddreg [dreg:$0x1]  }
0x3: {  	s6 =	rddreg [dreg:$0x2]  }
0x4: {  	s7 =	rddreg [dreg:$0x3]  }
0x5: {  	s8 =	rddreg [dreg:$0x4]  }
0x6: {  	s0 =	rddreg [dreg:$0x5];
	s4 =	srdreg.scid  }
0x7: {  	s2 =	stileid.u32;
	s3 =	simm.s32 $0x0;
	s13 =	simm.s32 $0x11170  }
0x8: {  	s14 =	simm.s32 $0x1;
	s15 =	simm.s32 $0x13880;
	s16 =	simm.s32 $0x2  }
0x9: {  	s4 =	sand.u32 $0x1, s4;
	s9 =	sshll.u32 s2, $0x1;
	[smem:$0x7FF] =	sst s3  }
0xa: {  	s17 =	simm.s32 $0x0;
	s9 =	sor.u32 s4, s9;
	_ =	strace $0x8000004A  }
0xb: {  	s10 =	ssub.s32 $0x2, s4;
	s11 =	smul.u32 $0x4E2, s9;
	s9 =	sshll.u32 s9, $0x1  }
0xc: {  	s4 =	sadd.s32 $0xE00, s5;
	s12 =	sshrl.u32 s10, $0x1;
	s9 =	sadd.s32 s9, s5  }
0xd: {  	s10 =	ssub.s32 s10, s12;
	s12 =	simm.s32 $0xEA60;
	s5 =	sadd.s32 s6, s11  }
0xe: {  	s6 =	sadd.s32 s7, s11;
	s7 =	sadd.s32 s8, s11;
	s8 =	sadd.s32 $0x2200, s9  }
0xf: {  	v0 =	vimm.bf16 $9.9840e-07;
	s9 =	smax.u32 s10, $0x1;
	s10 =	simm.s32 $0x9C40;
	s11 =	simm.s32 $0xC350  }
.LBB2_1:
0x10: {  	[tilespmem:s3], [sflag:$0x1] =	stream.linear.gather [hbm4b:s4+s3], $0x9C40, $0x38;
	[tilespmem:$0x13890] =	vst v63  }
0x11: {  	_ = 	snop  }
0x12: {  	[tilespmem:s10], [sflag:$0x1] =	stream.linear.gather [hbm4b:s1+s3], $0x2710, $0x38;
	[tilespmem:$0x13890] =	vst v63  }
0x13: {  	_ = 	snop  }
0x14: {  	[tilespmem:s11], [sflag:$0x1] =	stream.linear.gather [hbm4b:s5+s3], $0x2710, $0x38;
	[tilespmem:$0x13890] =	vst v63  }
0x15: {  	_ = 	snop  }
0x16: {  	[tilespmem:s12], [sflag:$0x1] =	stream.linear.gather [hbm4b:s6+s3], $0x2710, $0x38;
	[tilespmem:$0x13890] =	vst v63  }
0x17: {  	_ = 	snop  }
0x18: {  	[tilespmem:s13], [sflag:$0x1] =	stream.linear.gather [hbm4b:s7+s3], $0x2710, $0x38;
	[tilespmem:$0x13890] =	vst v63  }
0x19: {  	_ =	swait.ge [sflag:s14], $0x9C40  }
0x1a: {  	[sflag:s14] =	ssyncset.done $0x0  }
0x1b: {  	[sflag:s14] =	ssyncadd.s32 $0xFFFF63C0  }
0x1c: {  	_ =	swait.ge [sflag:s14], $0x2710  }
0x1d: {  	[sflag:s14] =	ssyncset.done $0x0  }
0x1e: {  	[sflag:s14] =	ssyncadd.s32 $0xFFFFD8F0  }
0x1f: {  	_ =	swait.ge [sflag:s14], $0x2710  }
0x20: {  	[sflag:s14] =	ssyncset.done $0x0  }
0x21: {  	[sflag:s14] =	ssyncadd.s32 $0xFFFFD8F0  }
0x22: {  	_ =	swait.ge [sflag:s14], $0x2710  }
0x23: {  	[sflag:s14] =	ssyncset.done $0x0  }
0x24: {  	[sflag:s14] =	ssyncadd.s32 $0xFFFFD8F0  }
0x25: {  	_ =	swait.ge [sflag:s14], $0x2710  }
0x26: {  	[sflag:s14] =	ssyncset.done $0x0  }
0x27: {  	s18 =	simm.s32 $0xC360;
	[sflag:s14] =	ssyncadd.s32 $0xFFFFD8F0  }
0x28: {  	s19 =	simm.s32 $0xEA70;
	v11 =	vld [tilespmem:s18+$0xFFFFFFF0]  }
0x29: {  	v3 =	vld [tilespmem:s19+$0xFFFFFFF0]  }
0x2a: {  	v9 =	vld [tilespmem:s19+$0x0]  }
0x2b: {  	v4 =	vld [tilespmem:s18+$0x0]  }
0x2c: {  	s30 =	simm.s32 $0xEA90  }
0x2d: {  	v23 =	vld [tilespmem:s30+$0xFFFFFFF0]  }
0x2e: {  	s29 =	simm.s32 $0xC380  }
0x2f: {  	v26 =	vld [tilespmem:s29+$0x0]  }
0x30: {  	v6 =	vld.idx.msk [tilespmem:v11+s3+$0x0], $0xffff  }
0x31: {  	v1 =	vadd.s32 $0x2710, v11;
	v7 =	vld.idx.msk [tilespmem:v3+s3+$0x0], $0xffff  }
0x32: {  	v2 =	vadd.s32 $0x7530, v9;
	v10 =	vld.idx.msk [tilespmem:v9+s3+$0x0], $0xffff  }
0x33: {  	v5 =	vadd.s32 $0x4E20, v11;
	v16 =	vld.idx.msk [tilespmem:v4+s3+$0x0], $0xffff  }
0x34: {  	v8 =	vadd.s32 $0x4E20, v4;
	v25 =	vld.idx.msk [tilespmem:v3+s10+$0x0], $0xffff  }
0x35: {  	v12 =	vadd.s32 $0x4E20, v3;
	v28 =	vld.idx.msk [tilespmem:v23+s3+$0x0], $0xffff  }
0x36: {  	v15 =	vadd.s32 $0x2710, v3;
	v13 =	vld.idx.msk [tilespmem:v1+s3+$0x0], $0xffff  }
0x37: {  	v17 =	vadd.s32 $0x7530, v3;
	v14 =	vld.idx.msk [tilespmem:v2+s3+$0x0], $0xffff  }
0x38: {  	v21 =	vadd.s32 $0x2710, v4;
	v5 =	vld.idx.msk [tilespmem:v5+s3+$0x0], $0xffff  }
0x39: {  	v1 =	vadd.s32 $0x7530, v11;
	v18 =	vld.idx.msk [tilespmem:v8+s3+$0x0], $0xffff  }
0x3a: {  	v2 =	vadd.s32 $0x4E20, v9;
	v12 =	vld.idx.msk [tilespmem:v12+s3+$0x0], $0xffff  }
0x3b: {  	v8 =	vadd.s32 $0x7530, v4;
	v15 =	vld.idx.msk [tilespmem:v15+s3+$0x0], $0xffff  }
0x3c: {  	v17 =	vld.idx.msk [tilespmem:v17+s3+$0x0], $0xffff  }
0x3d: {  	v21 =	vld.idx.msk [tilespmem:v21+s3+$0x0], $0xffff  }
0x3e: {  	v19 =	vld.idx.msk [tilespmem:v1+s3+$0x0], $0xffff  }
0x3f: {  	v24 =	vadd.s32 $0x2710, v9;
	v20 =	vld.idx.msk [tilespmem:v2+s3+$0x0], $0xffff  }
0x40: {  	v22 =	vld.idx.msk [tilespmem:v8+s3+$0x0], $0xffff  }
0x41: {  	v30 =	vadd.s32 $0x4E20, v23;
	v2 =	vld [tilespmem:s29+$0xFFFFFFF0]  }
0x42: {  	v1 =	vld [tilespmem:s30+$0x0]  }
0x43: {  	v8 =	vld.idx.msk [tilespmem:v4+s10+$0x0], $0xffff  }
0x44: {  	v4 =	vsub.bf16 v6, v7;
	v6 =	vld.idx.msk [tilespmem:v24+s3+$0x0], $0xffff  }
0x45: {  	v58 =	vld.idx.msk [tilespmem:v11+s10+$0x0], $0xffff;
	v10 =	vsub.bf16 v16, v10  }
0x46: {  	v30 =	vld.idx.msk [tilespmem:v30+s3+$0x0], $0xffff;
	v5 =	vsub.bf16 v5, v12;
	v12 =	vsub.bf16 v13, v15;
	v3 =	vadd.s32 $0x2710, v2  }
0x47: {  	v9 =	vld.idx.msk [tilespmem:v9+s10+$0x0], $0xffff;
	v16 =	vadd.s32 $0x4E20, v26;
	v4 =	vadd.bf16 v0, v4;
	v7 =	vadd.s32 $0x7530, v1  }
0x48: {  	v12 =	vadd.bf16 v0, v12;
	v24 =	vadd.s32 $0x4E20, v2;
	v15 =	vsub.bf16 v19, v17;
	v19 =	vld.idx.msk [tilespmem:v26+s3+$0x0], $0xffff  }
0x49: {  	v5 =	vadd.bf16 v0, v5;
	v17 =	vadd.s32 $0x2710, v23;
	v6 =	vsub.bf16 v21, v6;
	v27 =	vld.idx.msk [tilespmem:v2+s3+$0x0], $0xffff  }
0x4a: {  	v25 =	vadd.f32 v25, v58;
	v4 =	vmul.bf16 v4, v4;
	v12 =	vmul.bf16 v12, v12;
	v29 =	vld.idx.msk [tilespmem:v1+s3+$0x0], $0xffff  }
0x4b: {  	v5 =	vmul.bf16 v5, v5;
	v21 =	vadd.s32 $0x7530, v23;
	v6 =	vadd.bf16 v0, v6;
	v31 =	vld.idx.msk [tilespmem:v3+s3+$0x0], $0xffff  }
0x4c: {  	v3 =	vadd.bf16 v0, v10;
	v10 =	vsub.bf16 v18, v20;
	v18 =	vadd.s32 $0x7530, v2;
	v20 =	vld.idx.msk [tilespmem:v7+s3+$0x0], $0xffff  }
0x4d: {  	v14 =	vsub.bf16 v22, v14;
	v8 =	vadd.f32 v9, v8;
	v7 =	vadd.s32 $0x4E20, v1;
	v13 =	vld.idx.msk [tilespmem:v24+s3+$0x0], $0xffff  }
0x4e: {  	v4 =	vadd.bf16 v12, v4;
	v6 =	vmul.bf16 v6, v6;
	v12 =	vld.idx.msk [tilespmem:v17+s3+$0x0], $0xffff;
	v3 =	vmul.bf16 v3, v3  }
0x4f: {  	v32 =	vadd.s32 $0x2710, v26;
	v16 =	vld.idx.msk [tilespmem:v16+s3+$0x0], $0xffff;
	v15 =	vadd.bf16 v0, v15;
	v10 =	vadd.bf16 v0, v10  }
0x50: {  	v4 =	vadd.bf16 v5, v4;
	v24 =	vadd.s32 $0x7530, v26;
	v3 =	vadd.bf16 v6, v3;
	v6 =	vld.idx.msk [tilespmem:v21+s3+$0x0], $0xffff  }
0x51: {  	v5 =	vsub.bf16 v27, v28;
	v19 =	vsub.bf16 v19, v29;
	v10 =	vmul.bf16 v10, v10;
	v18 =	vld.idx.msk [tilespmem:v18+s3+$0x0], $0xffff  }
0x52: {  	s19 =	simm.s32 $0xC3A0;
	v22 =	vld.idx.msk [tilespmem:v7+s3+$0x0], $0xffff;
	v7 =	vadd.bf16 v0, v14;
	v14 =	vmul.bf16 v15, v15;
	v13 =	vsub.bf16 v13, v30  }
0x53: {  	v28 =	vld [tilespmem:s19+$0x0];
	v12 =	vsub.bf16 v31, v12;
	v10 =	vadd.bf16 v10, v3  }
0x54: {  	v17 =	vmul.bf16 v7, v7;
	v14 =	vadd.bf16 v14, v4;
	v7 =	vld.idx.msk [tilespmem:v23+s10+$0x0], $0xffff;
	v23 =	vadd.bf16 v0, v5  }
0x55: {  	v33 =	vadd.s32 $0x2710, v1;
	v15 =	vld.idx.msk [tilespmem:v24+s3+$0x0], $0xffff;
	v13 =	vadd.bf16 v0, v13;
	v12 =	vadd.bf16 v0, v12  }
0x56: {  	s21 =	simm.s32 $0xEAB0;
	v21 =	vld.idx.msk [tilespmem:v32+s3+$0x0], $0xffff;
	v5 =	vadd.bf16 v17, v10;
	v17 =	vunpack.i.u.bf16.f32 v14;
	v14 =	vunpack.i.l.bf16.f32 v14  }
0x57: {  	v23 =	vmul.bf16 v23, v23;
	v12 =	vmul.bf16 v12, v12;
	v18 =	vsub.bf16 v18, v6;
	v6 =	vld [tilespmem:s21+$0x0]  }
0x58: {  	v16 =	vsub.bf16 v16, v22;
	v22 =	vunpack.i.u.bf16.f32 v5;
	v24 =	vunpack.i.l.bf16.f32 v5;
	v5 =	vld [tilespmem:s19+$0xFFFFFFF0]  }
0x59: {  	v4 =	vld.idx.msk [tilespmem:v26+s10+$0x0], $0xffff;
	v38 =	vadd.s32 $0x2710, v28;
	v10 =	vadd.bf16 v0, v19;
	v14 =	vadd.f32 v14, v17  }
0x5a: {  	v39 =	vadd.s32 $0x4E20, v28;
	v19 =	vld.idx.msk [tilespmem:v33+s3+$0x0], $0xffff;
	v15 =	vsub.bf16 v15, v20;
	v12 =	vadd.bf16 v12, v23  }
0x5b: {  	s31 =	simm.s32 $0x11180;
	v26 =	vmul.bf16 v13, v13;
	v22 =	vadd.f32 v24, v22;
	v24 =	vld [tilespmem:s21+$0xFFFFFFF0];
	v17 =	vadd.bf16 v0, v18  }
0x5c: {  	v29 =	vld [tilespmem:s31+$0xFFFFFFF0];
	v18 =	vmul.bf16 v10, v10;
	v16 =	vadd.bf16 v0, v16;
	v14 =	vmax.f32 v14, $1.000000000e-30  }
0x5d: {  	v43 =	vld.idx.msk [tilespmem:v28+s3+$0x0], $0xffff;
	v15 =	vadd.bf16 v0, v15;
	v36 =	vmul.f32 $5.000000000e-01, v14;
	v20 =	vadd.s32 $0x2710, v5  }
0x5e: {  	v10 =	vld [tilespmem:s31+$0x0];
	v11 =	vshra.s32 v14, $0x1;
	v22 =	vmax.f32 v22, $1.000000000e-30;
	v27 =	vmul.bf16 v17, v17  }
0x5f: {  	v39 =	vld.idx.msk [tilespmem:v39+s3+$0x0], $0xffff;
	v13 =	vshra.s32 v22, $0x1;
	v17 =	vmul.f32 $5.000000000e-01, v22;
	v41 =	vadd.s32 $0x4E20, v6  }
0x60: {  	v19 =	vsub.bf16 v21, v19;
	v30 =	vadd.s32 $0x4E20, v5;
	v57 =	vsub.s32 $0x5F3759DF, v13;
	v21 =	vld.idx.msk [tilespmem:v6+s3+$0x0], $0xffff  }
0x61: {  	v31 =	vsub.s32 $0x5F3759DF, v11;
	v13 =	vadd.s32 $0x7530, v6;
	v17 =	vmul.f32 v57, v17;
	v37 =	vld.idx.msk [tilespmem:v5+s3+$0x0], $0xffff  }
0x62: {  	v42 =	vadd.s32 $0x7530, v5;
	v19 =	vadd.bf16 v0, v19;
	v11 =	vld.idx.msk [tilespmem:v20+s3+$0x0], $0xffff;
	v20 =	vmul.f32 v31, v36  }
0x63: {  	v12 =	vadd.bf16 v26, v12;
	v34 =	vadd.s32 $0x2710, v24;
	v60 =	vmul.f32 v57, v17;
	v40 =	vld.idx.msk [tilespmem:v24+s3+$0x0], $0xffff  }
0x64: {  	v35 =	vadd.s32 $0x4E20, v24;
	v19 =	vmul.bf16 v19, v19;
	v63 =	vld.idx.msk [tilespmem:v41+s3+$0x0], $0xffff;
	v20 =	vmul.f32 v31, v20  }
0x65: {  	v16 =	vmul.bf16 v16, v16;
	v17 =	vld.idx.msk [tilespmem:v30+s3+$0x0], $0xffff;
	v30 =	vadd.s32 $0x7530, v28;
	v33 =	vsub.f32 $1.500000000e+00, v60  }
0x66: {  	v59 =	vadd.s32 $0x7530, v24;
	v18 =	vadd.bf16 v19, v18;
	v13 =	vld.idx.msk [tilespmem:v13+s3+$0x0], $0xffff;
	v44 =	vsub.f32 $1.500000000e+00, v20  }
0x67: {  	v62 =	vmul.bf16 v15, v15;
	v26 =	vadd.bf16 v27, v12;
	v19 =	vld.idx.msk [tilespmem:v42+s3+$0x0], $0xffff;
	v23 =	vmul.f32 v57, v33  }
0x68: {  	v18 =	vadd.bf16 v16, v18;
	v15 =	vld.idx.msk [tilespmem:v34+s3+$0x0], $0xffff;
	v37 =	vsub.bf16 v37, v40;
	v31 =	vmul.f32 v31, v44  }
0x69: {  	v16 =	vadd.s32 $0x2710, v6;
	v20 =	vld.idx.msk [tilespmem:v35+s3+$0x0], $0xffff;
	v9 =	vmul.f32 v23, v22;
	v22 =	vsub.bf16 v43, v21  }
0x6a: {  	v21 =	vld.idx.msk [tilespmem:v30+s3+$0x0], $0xffff;
	v30 =	vadd.bf16 v62, v18;
	v61 =	vadd.bf16 v0, v37;
	v14 =	vmul.f32 v31, v14  }
0x6b: {  	v23 =	vld.idx.msk [tilespmem:v59+s3+$0x0], $0xffff;
	v22 =	vadd.bf16 v0, v22;
	v27 =	vsub.f32 v8, v9  }
0x6c: {  	v3 =	vimm.f32 $0.0e+00;
	v9 =	vld.idx.msk [tilespmem:v24+s10+$0x0], $0xffff;
	v24 =	vsub.bf16 v39, v63;
	v14 =	vsub.f32 v25, v14  }
0x6d: {  	v8 =	vld.idx.msk [tilespmem:v28+s10+$0x0], $0xffff;
	v28 =	vunpack.i.u.bf16.f32 v30;
	v12 =	vmul.bf16 v61, v61;
	v25 =	vunpack.i.u.bf16.f32 v26  }
0x6e: {  	s22 =	simm.s32 $0x4;
	s20 =	simm.s32 $0x111A0;
	s18 =	simm.s32 $0x111A0;
	v18 =	vld.idx.msk [tilespmem:v38+s3+$0x0], $0xffff;
	v26 =	vunpack.i.l.bf16.f32 v26;
	v14 =	vmul.f32 v14, v29;
	v29 =	vunpack.i.l.bf16.f32 v30  }
.LBB2_2:
0x6f: {  	s22 =	sadd.s32 $0x2, s22;
	v17 =	vsub.bf16 v17, v20;
	v20 =	vld.idx.msk [tilespmem:v16+s3+$0x0], $0xffff;
	s19 =	sadd.s32 $0x20, s19;
	v16 =	vadd.f32 v29, v28;
	s18 =	sadd.s32 $0x20, s18;
	v10 =	vmul.f32 v27, v10  }
0x70: {  	v19 =	vsub.bf16 v19, v23;
	s21 =	sadd.s32 $0x20, s21;
	v3 =	vadd.f32 v14, v3;
	v27 =	vld [tilespmem:s19+$0xFFFFFFF0];
	p0 =	slt.u32 s22, $0x26E  }
0x71: {  	v23 =	vadd.f32 v26, v25;
	v14 =	vld [tilespmem:s21+$0xFFFFFFF0];
	v17 =	vadd.bf16 v0, v17;
	v25 =	vmax.f32 v16, $1.000000000e-30  }
0x72: {  	v16 =	vadd.bf16 v0, v19;
	v19 =	vmul.bf16 v22, v22;
	v3 =	vadd.f32 v10, v3;
	v26 =	vld [tilespmem:s21+$0x0]  }
0x73: {  	v21 =	vsub.bf16 v21, v13;
	v13 =	vshra.s32 v25, $0x1;
	v28 =	vld [tilespmem:s19+$0x0];
	v22 =	vmul.bf16 v17, v17  }
0x74: {  	v24 =	vadd.bf16 v0, v24;
	v29 =	vmul.bf16 v16, v16;
	v17 =	vmul.f32 $5.000000000e-01, v25;
	v10 =	vld [tilespmem:s20+$0x0]  }
0x75: {  	v33 =	vsub.s32 $0x5F3759DF, v13;
	v30 =	vadd.s32 $0x2710, v27;
	v31 =	vadd.s32 $0x4E20, v27;
	v32 =	vld [tilespmem:s20+$0xFFFFFFF0];
	s20 =	smov.u32 s18  }
0x76: {  	v23 =	vmax.f32 v23, $1.000000000e-30;
	v34 =	vadd.s32 $0x2710, v14;
	v35 =	vadd.s32 $0x4E20, v14;
	v36 =	vld.idx.msk [tilespmem:v2+s10+$0x0], $0xffff;
	v2 =	vmovc v5;
	v5 =	vmovc v27  }
0x77: {  	v37 =	vmul.f32 $5.000000000e-01, v23;
	v16 =	vadd.s32 $0x2710, v26;
	v13 =	vadd.s32 $0x7530, v26;
	v38 =	vld.idx.msk [tilespmem:v1+s10+$0x0], $0xffff;
	v1 =	vmovc v6;
	v6 =	vmovc v26  }
0x78: {  	v41 =	vshra.s32 v23, $0x1;
	v27 =	vld.idx.msk [tilespmem:v27+s3+$0x0], $0xffff;
	v39 =	vadd.s32 $0x2710, v28;
	v40 =	vadd.s32 $0x4E20, v28  }
0x79: {  	v15 =	vsub.bf16 v11, v15;
	v18 =	vsub.bf16 v18, v20;
	v43 =	vadd.s32 $0x4E20, v6;
	v42 =	vld.idx.msk [tilespmem:v14+s3+$0x0], $0xffff  }
0x7a: {  	v41 =	vsub.s32 $0x5F3759DF, v41;
	v17 =	vmul.f32 v33, v17;
	v44 =	vadd.s32 $0x7530, v5;
	v26 =	vld.idx.msk [tilespmem:v26+s3+$0x0], $0xffff  }
0x7b: {  	v15 =	vadd.bf16 v0, v15;
	v20 =	vmul.f32 v41, v37;
	v11 =	vld.idx.msk [tilespmem:v30+s3+$0x0], $0xffff;
	v30 =	vadd.s32 $0x7530, v14  }
0x7c: {  	v18 =	vadd.bf16 v0, v18;
	v37 =	vmul.f32 v33, v17;
	v36 =	vadd.f32 v7, v36;
	v13 =	vld.idx.msk [tilespmem:v13+s3+$0x0], $0xffff  }
0x7d: {  	v21 =	vadd.bf16 v0, v21;
	v20 =	vmul.f32 v41, v20;
	v7 =	vmovc v9;
	v17 =	vld.idx.msk [tilespmem:v31+s3+$0x0], $0xffff;
	v31 =	vadd.s32 $0x7530, v28  }
0x7e: {  	v15 =	vmul.bf16 v15, v15;
	v18 =	vmul.bf16 v18, v18;
	v37 =	vsub.f32 $1.500000000e+00, v37;
	v9 =	vld.idx.msk [tilespmem:v28+s3+$0x0], $0xffff  }
0x7f: {  	v24 =	vmul.bf16 v24, v24;
	v27 =	vsub.bf16 v27, v42;
	v42 =	vsub.f32 $1.500000000e+00, v20;
	v40 =	vld.idx.msk [tilespmem:v40+s3+$0x0], $0xffff  }
0x80: {  	v12 =	vadd.bf16 v15, v12;
	v15 =	vadd.bf16 v18, v19;
	v18 =	vmul.f32 v33, v37;
	v20 =	vld.idx.msk [tilespmem:v35+s3+$0x0], $0xffff  }
0x81: {  	v33 =	vmul.bf16 v21, v21;
	v27 =	vadd.bf16 v0, v27;
	v21 =	vmul.f32 v41, v42;
	v19 =	vld.idx.msk [tilespmem:v44+s3+$0x0], $0xffff  }
0x82: {  	v12 =	vadd.bf16 v22, v12;
	v22 =	vadd.bf16 v24, v15;
	v24 =	vmul.f32 v18, v25;
	v35 =	vld.idx.msk [tilespmem:v43+s3+$0x0], $0xffff  }
0x83: {  	v25 =	vadd.f32 v38, v4;
	v4 =	vmov v8;
	v18 =	vmul.f32 v21, v23;
	v15 =	vld.idx.msk [tilespmem:v34+s3+$0x0], $0xffff  }
.Ltmp0:
0x84: {  	v8 =	vsub.bf16 v9, v26;
	v26 =	vadd.bf16 v29, v12;
	v23 =	vld.idx.msk [tilespmem:v30+s3+$0x0], $0xffff;
	(pc) =	sbr.rel @p0 .LBB2_2-.Ltmp0, $4  }
0x85: {  	v12 =	vmul.bf16 v27, v27;
	v29 =	vadd.bf16 v33, v22;
	v30 =	vsub.f32 v36, v18;
	v21 =	vld.idx.msk [tilespmem:v31+s3+$0x0], $0xffff  }
0x86: {  	v27 =	vsub.f32 v25, v24;
	v22 =	vadd.bf16 v0, v8;
	v18 =	vld.idx.msk [tilespmem:v39+s3+$0x0], $0xffff  }
0x87: {  	v25 =	vunpack.i.u.bf16.f32 v26;
	v26 =	vunpack.i.l.bf16.f32 v26;
	v9 =	vld.idx.msk [tilespmem:v14+s10+$0x0], $0xffff;
	v14 =	vmul.f32 v30, v32  }
0x88: {  	v24 =	vsub.bf16 v40, v35;
	v8 =	vld.idx.msk [tilespmem:v28+s10+$0x0], $0xffff;
	v28 =	vunpack.i.u.bf16.f32 v29;
	v29 =	vunpack.i.l.bf16.f32 v29  }
0x89: {  	v30 =	vld [tilespmem:$0xEA50]  }
0x8a: {  	v31 =	vld [tilespmem:$0x11160];
	_ =	sdelay $0x2  }
0x8b: {  	v17 =	vsub.bf16 v17, v20;
	v48 =	vadd.f32 v29, v28  }
0x8c: {  	v16 =	vld.idx.msk [tilespmem:v16+s3+$0x0], $0xffff;
	v10 =	vmul.f32 v27, v10;
	v19 =	vsub.bf16 v19, v23;
	v32 =	vadd.s32 $0x2710, v30  }
0x8d: {  	v11 =	vsub.bf16 v11, v15;
	v25 =	vadd.f32 v26, v25;
	v2 =	vld.idx.msk [tilespmem:v2+s10+$0x0], $0xffff;
	v49 =	vadd.s32 $0x2710, v31  }
0x8e: {  	v22 =	vmul.bf16 v22, v22;
	v1 =	vld.idx.msk [tilespmem:v1+s10+$0x0], $0xffff;
	v3 =	vadd.f32 v14, v3;
	v50 =	vadd.s32 $0x4E20, v30  }
0x8f: {  	v13 =	vsub.bf16 v21, v13;
	v11 =	vadd.bf16 v0, v11;
	v52 =	vadd.s32 $0x4E20, v31;
	v51 =	vld.idx.msk [tilespmem:v30+s3+$0x0], $0xffff  }
0x90: {  	v24 =	vadd.bf16 v0, v24;
	v20 =	vmax.f32 v48, $1.000000000e-30;
	v57 =	vadd.s32 $0x7530, v30;
	v53 =	vld.idx.msk [tilespmem:v31+s3+$0x0], $0xffff  }
0x91: {  	v17 =	vadd.bf16 v0, v17;
	v11 =	vmul.bf16 v11, v11;
	v59 =	vadd.s32 $0x7530, v31;
	v54 =	vld.idx.msk [tilespmem:v32+s3+$0x0], $0xffff  }
0x92: {  	v25 =	vmax.f32 v25, $1.000000000e-30;
	v19 =	vadd.bf16 v0, v19;
	v56 =	vmul.f32 $5.000000000e-01, v20;
	v28 =	vld.idx.msk [tilespmem:v49+s3+$0x0], $0xffff  }
0x93: {  	v17 =	vmul.bf16 v17, v17;
	v16 =	vsub.bf16 v18, v16;
	v11 =	vadd.bf16 v11, v12;
	v18 =	vld.idx.msk [tilespmem:v50+s3+$0x0], $0xffff  }
0x94: {  	v55 =	vshra.s32 v20, $0x1;
	v24 =	vmul.bf16 v24, v24;
	v60 =	vmul.f32 $5.000000000e-01, v25;
	v58 =	vld.idx.msk [tilespmem:v52+s3+$0x0], $0xffff  }
0x95: {  	v19 =	vmul.bf16 v19, v19;
	v16 =	vadd.bf16 v0, v16;
	v11 =	vadd.bf16 v17, v11;
	v63 =	vld.idx.msk [tilespmem:v57+s3+$0x0], $0xffff  }
0x96: {  	v61 =	vshra.s32 v25, $0x1;
	v13 =	vadd.bf16 v0, v13;
	v2 =	vadd.f32 v7, v2;
	v23 =	vld.idx.msk [tilespmem:v59+s3+$0x0], $0xffff  }
0x97: {  	v1 =	vadd.f32 v1, v4;
	v16 =	vmul.bf16 v16, v16;
	v11 =	vadd.bf16 v19, v11  }
0x98: {  	v27 =	vsub.s32 $0x5F3759DF, v55;
	v15 =	vsub.bf16 v51, v53;
	v21 =	vsub.bf16 v54, v28  }
0x99: {  	v62 =	vmul.f32 v27, v56;
	v16 =	vadd.bf16 v16, v22;
	v18 =	vsub.bf16 v18, v58  }
0x9a: {  	v13 =	vmul.bf16 v13, v13;
	v15 =	vadd.bf16 v0, v15;
	v21 =	vadd.bf16 v0, v21  }
0x9b: {  	v39 =	vunpack.i.u.bf16.f32 v11;
	v11 =	vunpack.i.l.bf16.f32 v11;
	v35 =	vsub.bf16 v63, v23  }
0x9c: {  	v15 =	vmul.bf16 v15, v15;
	v34 =	vadd.bf16 v0, v18;
	v33 =	vmul.bf16 v21, v21  }
0x9d: {  	v16 =	vadd.bf16 v24, v16;
	v24 =	vsub.s32 $0x5F3759DF, v61;
	v11 =	vadd.f32 v11, v39  }
0x9e: {  	v38 =	vadd.bf16 v0, v35;
	v37 =	vmul.bf16 v34, v34;
	v15 =	vadd.bf16 v33, v15  }
0x9f: {  	v32 =	vmul.f32 v27, v62;
	v12 =	vmul.f32 v24, v60;
	v13 =	vadd.bf16 v13, v16  }
0xa0: {  	v11 =	vmax.f32 v11, $1.000000000e-30;
	v40 =	vmul.bf16 v38, v38;
	v15 =	vadd.bf16 v37, v15  }
0xa1: {  	v22 =	vsub.f32 $1.500000000e+00, v32;
	v12 =	vmul.f32 v24, v12;
	v44 =	vshra.s32 v11, $0x1  }
0xa2: {  	v36 =	vunpack.i.u.bf16.f32 v13;
	v13 =	vunpack.i.l.bf16.f32 v13;
	v15 =	vadd.bf16 v40, v15  }
0xa3: {  	v43 =	vmul.f32 $5.000000000e-01, v11;
	v18 =	vsub.s32 $0x5F3759DF, v44;
	v13 =	vadd.f32 v13, v36  }
0xa4: {  	v12 =	vsub.f32 $1.500000000e+00, v12;
	v45 =	vunpack.i.u.bf16.f32 v15;
	v15 =	vunpack.i.l.bf16.f32 v15  }
0xa5: {  	v17 =	vmul.f32 v18, v43;
	v13 =	vmax.f32 v13, $1.000000000e-30;
	v15 =	vadd.f32 v15, v45  }
0xa6: {  	v12 =	vmul.f32 v24, v12;
	v42 =	vshra.s32 v13, $0x1;
	v46 =	vmul.f32 $5.000000000e-01, v13  }
0xa7: {  	v47 =	vld [tilespmem:s20+$0xFFFFFFF0];
	v17 =	vmul.f32 v18, v17;
	v16 =	vsub.s32 $0x5F3759DF, v42;
	v15 =	vmax.f32 v15, $1.000000000e-30  }
0xa8: {  	v5 =	vld.idx.msk [tilespmem:v5+s10+$0x0], $0xffff;
	v48 =	vmul.f32 v16, v46;
	v50 =	vshra.s32 v15, $0x1;
	v51 =	vmul.f32 $-5.000000000e-01, v15  }
0xa9: {  	v6 =	vld.idx.msk [tilespmem:v6+s10+$0x0], $0xffff;
	v41 =	vmul.f32 v27, v22;
	v12 =	vmul.f32 v12, v25;
	v52 =	vsub.s32 $0x5F3759DF, v50  }
0xaa: {  	v49 =	vld [tilespmem:s20+$0x0];
	v53 =	vsub.f32 $1.500000000e+00, v17;
	v4 =	vmul.f32 v16, v48;
	v54 =	vmul.f32 v52, v51  }
0xab: {  	v3 =	vadd.f32 v10, v3;
	v56 =	vld.idx.msk [tilespmem:v30+s10+$0x0], $0xffff;
	v7 =	vmul.f32 v41, v20;
	v2 =	vsub.f32 v2, v12  }
0xac: {  	s18 =	sadd.s32 $0x20, s18;
	v57 =	vld.idx.msk [tilespmem:v31+s10+$0x0], $0xffff;
	v14 =	vmul.f32 v18, v53;
	v4 =	vsub.f32 $1.500000000e+00, v4;
	v17 =	vmul.f32 v52, v54  }
0xad: {  	v55 =	vld [tilespmem:s18+$0xFFFFFFF0];
	v5 =	vadd.f32 v9, v5;
	v1 =	vsub.f32 v1, v7;
	v2 =	vmul.f32 v2, v47  }
0xae: {  	v58 =	vmul.f32 v14, v11;
	v4 =	vmul.f32 v16, v4;
	v59 =	vadd.f32 $1.500000000e+00, v17  }
0xaf: {  	v6 =	vadd.f32 v6, v8;
	v1 =	vmul.f32 v1, v49;
	v2 =	vadd.f32 v2, v3;
	v3 =	vld [tilespmem:s18+$0x0]  }
0xb0: {  	v5 =	vsub.f32 v5, v58;
	v4 =	vmul.f32 v4, v13;
	v60 =	vmul.f32 v52, v59  }
0xb1: {  	v61 =	vld [tilespmem:$0x13870];
	v63 =	vadd.f32 v57, v56;
	v1 =	vadd.f32 v1, v2  }
0xb2: {  	v5 =	vmul.f32 v5, v55;
	v2 =	vsub.f32 v6, v4;
	v62 =	vmul.f32 v60, v15;
	_ =	sdelay $0x1  }
0xb3: {  	v1 =	vadd.f32 v5, v1;
	v2 =	vmul.f32 v2, v3;
	v3 =	vsub.f32 v63, v62;
	_ =	sdelay $0x1  }
0xb4: {  	v1 =	vadd.f32 v2, v1;
	v2 =	vmul.f32 v3, v61;
	_ =	sdelay $0x1  }
0xb5: {  	s17 =	sadd.s32 $0x1, s17;
	v1 =	vadd.f32 v2, v1  }
0xb6: {  	p0 =	sne.s32 s17, s9  }
.Ltmp1:
0xb7: {  	[tilespmem:$0x13880] =	vst v1;
	(pc) =	sbr.rel @p0 .LBB2_1-.Ltmp1, $4  }
0xb8: {  	[hbm4b:s8+s3] =	stream.linear.scatter [tilespmem:s15], [sflag:$0x2], $0x10, $0x38;
	[tilespmem:$0x13890] =	vst v63  }
0xb9: {  	_ =	swait.ge [sflag:s16], $0x10  }
0xba: {  	[sflag:s16] =	ssyncset.done $0x0  }
0xbb: {  	[sflag:s16] =	ssyncadd.s32 $0xFFFFFFF0  }
0xbc: {  	_ =	sfence.sel $0x180000  }
0xbd: {  	[bflag:$0x0] =	sbarrier.arrive $0xFFFF  }
0xbe: {  	p0 =	sne.s32 s2, $0x0;
	_ =	strace $0x9000004A  }
0xbf: {  	s0 =	sadd.s32 @!p0 $0x100000, s0;
	[bflag:$0x2] =	sbarrier.arrive $0xFFFF  }
0xc0: {  	[sflag:s0] =	ssyncadd.tile.s32 @!p0 $0x1;
	_ =	shalt  }
.Lfunc_end2:
_tile_overlayer_lowered:
.L_overlay_start_2:
0xc1: {  	(tag) =	ssettag $0x2  }
0xc2: {  	s0 =	rddreg [dreg:$0x0];
	s2 =	stileid.u32  }
0xc3: {  	s1 =	rddreg [dreg:$0x1];
	p0 =	sne.s32 s2, $0x0  }
0xc4: {  	s3 =	rddreg [dreg:$0x2];
	[bflag:$0x3] =	sbarrier.arrive $0xFFFF;
	s2 =	simm.s32 @!p0 $0x1C02  }
0xc5: {  	[timem:s3], [sflag:s2] =	dma.local @!p0 [hbm:s0], s1  }
0xc6: {  	s0 =	simm.s32 @!p0 $0x2  }
0xc7: {  	_ =	swait.ge @!p0 [sflag:s0], s1  }
0xc8: {  	s1 =	ssub.s32 @!p0 $0x0, s1;
	[sflag:s0] =	ssyncset.done @!p0 $0x0  }
0xc9: {  	[sflag:s0] =	ssyncadd.s32 @!p0 s1  }
0xca: {  	[bflag:$0x3] =	sbarrier.arrive $0xFFFF  }
0xcb: {  	_ =	shalt  }

</sc_bundles>
